<compile_context>
chip_gen: v7x
topology: tpu7x:2x2x1
jax: 0.10.2.dev20260603
libtpu: 0.0.44.dev20260713+nightly
codegen_flags: <defaults>
</compile_context>

<pallas_src>
import functools

import jax
import jax.numpy as jnp
import numpy as np
from jax import lax
from jax.experimental import pallas as pl
from jax.experimental.pallas import tpu as pltpu
from jax.experimental.pallas import tpu_sc as plsc

TOP_P = 0.9
NEG_INF = float("-inf")

ROWS = 32
V = 1000000
NB = 4096
HWORDS = NB * 16

SUB = 8192
LANE = 128
PADDED = SUB * LANE

CSUB = 128
CVREG = CSUB * LANE // 16
NCHUNK = SUB // CSUB

_SIGN = np.uint32(0x80000000)


def _key16(v, u):
    return jnp.where(v < 0.0, ~u, u ^ _SIGN)


def _sc_body(x_hbm, out_hbm, cbuf, hist, kscr, sscr, sem_a, sem_b):
    wid = lax.axis_index("c") * 16 + lax.axis_index("s")
    lane = lax.iota(jnp.int32, 16)
    zero16 = jnp.zeros((16,), jnp.float32)

    @plsc.parallel_loop(0, NB, unroll=8)
    def _(j):
        hist[pl.ds(j * 16, 16)] = zero16

    def src(c):
        return x_hbm.at[wid, pl.ds(c * CSUB, CSUB), :]

    def slot(k):
        return cbuf.at[pl.ds(k * CSUB, CSUB), :]

    def stream_row(process_chunk, init):
        pltpu.async_copy(src(0), slot(0), sem_a)

        def pair(k, acc):
            c = 2 * k
            pltpu.make_async_copy(src(c), slot(0), sem_a).wait()
            pltpu.async_copy(src(c + 1), slot(1), sem_b)
            acc = process_chunk(0, acc)
            pltpu.make_async_copy(src(c + 1), slot(1), sem_b).wait()

            @pl.when(c + 2 < NCHUNK)
            def _():
                pltpu.async_copy(src(c + 2), slot(0), sem_a)

            return process_chunk(CSUB, acc)

        return lax.fori_loop(0, NCHUNK // 2, pair, init)

    def chunk_a(base, z):
        def body(i, zz):
            v = cbuf[base + (i >> 3), pl.ds((i & 7) * 16, 16)]
            u = lax.bitcast_convert_type(v, jnp.uint32)
            key = _key16(v, u)
            p = jnp.exp(v)
            b1 = (key >> jnp.uint32(20)).astype(jnp.int32)
            plsc.addupdate_scatter(hist, [(b1 << 4) + lane], p)
            return zz + p

        return plsc.parallel_loop(0, CVREG, unroll=8, carry=z)(body)

    zvec = stream_row(chunk_a, zero16)
    target = TOP_P * jnp.sum(zvec)

    def scan(init):
        def body(i, carry):
            run, cbin, sinc, bmass = carry
            j = NB - 1 - i
            m = jnp.sum(hist[pl.ds(j * 16, 16)])
            hist[pl.ds(j * 16, 16)] = zero16
            newrun = run + m
            crossed = (run < target) & (newrun >= target)
            cbin = jnp.where(crossed, j, cbin)
            sinc = jnp.where(crossed, newrun, sinc)
            bmass = jnp.where(crossed, m, bmass)
            return (newrun, cbin, sinc, bmass)

        return plsc.parallel_loop(0, NB, unroll=8, carry=init)(body)

    _, c1, s_inc_a, bm_a = scan((jnp.float32(0.0), jnp.int32(0),
                                 jnp.float32(0.0), jnp.float32(0.0)))
    g_above = s_inc_a - bm_a
    c1u = c1.astype(jnp.uint32)

    def chunk_b(base, acc):
        def body(i):
            v = cbuf[base + (i >> 3), pl.ds((i & 7) * 16, 16)]
            u = lax.bitcast_convert_type(v, jnp.uint32)
            key = _key16(v, u)
            p = jnp.exp(v)
            is_in = (key >> jnp.uint32(20)) == c1u
            b2 = ((key >> jnp.uint32(8)) & jnp.uint32(0xFFF)).astype(jnp.int32)
            plsc.addupdate_scatter(hist, [(b2 << 4) + lane], p, mask=is_in)

        plsc.parallel_loop(0, CVREG, unroll=8)(body)
        return acc

    stream_row(chunk_b, 0)

    run_b, c2_raw, sinc_b, _ = scan((g_above, jnp.int32(-1), g_above,
                                     jnp.float32(0.0)))
    found = c2_raw >= 0
    c2 = jnp.where(found, c2_raw, 0)
    s_inc_b = jnp.where(found, sinc_b, run_b)
    c2u = c2.astype(jnp.uint32)

    tkey = ((c1u << jnp.uint32(12)) | c2u) << jnp.uint32(8)
    kscr[...] = jnp.full((16,), tkey, jnp.uint32)
    sscr[...] = lax.bitcast_convert_type(
        jnp.full((16,), s_inc_b, jnp.float32), jnp.uint32)
    pltpu.sync_copy(kscr, out_hbm.at[pl.ds(wid * 32, 16)])
    pltpu.sync_copy(sscr, out_hbm.at[pl.ds(wid * 32 + 16, 16)])


_sc_threshold = functools.partial(
    pl.kernel,
    out_type=jax.ShapeDtypeStruct((ROWS * 32,), jnp.uint32),
    mesh=plsc.VectorSubcoreMesh(core_axis_name="c", subcore_axis_name="s"),
    compiler_params=pltpu.CompilerParams(needs_layout_passes=False),
    scratch_types=[
        pltpu.VMEM((2 * CSUB, LANE), jnp.float32),
        pltpu.VMEM((HWORDS,), jnp.float32),
        pltpu.VMEM((16,), jnp.uint32),
        pltpu.VMEM((16,), jnp.uint32),
        pltpu.SemaphoreType.DMA,
        pltpu.SemaphoreType.DMA,
    ],
)(_sc_body)


def _finalize_kernel(x_ref, k_ref, s_ref, o_ref):
    x = x_ref[0]
    kth = k_ref[0, 0, 0]
    c = jnp.log(s_ref[0, 0, 0])
    u = lax.bitcast_convert_type(x, jnp.uint32)
    key = jnp.where(x < 0.0, ~u, u ^ _SIGN)
    o_ref[0] = jnp.where(key >= kth, x - c, NEG_INF)


@jax.jit
def kernel(logprobs):
    b, v = logprobs.shape
    x = jnp.pad(logprobs, ((0, 0), (0, PADDED - v)), constant_values=NEG_INF)
    x = x.reshape(b, SUB, LANE)
    packed = _sc_threshold(x).reshape(b, 2, 16)
    keys = packed[:, 0:1, :]
    svals = lax.bitcast_convert_type(packed[:, 1:2, :], jnp.float32)
    out = pl.pallas_call(
        _finalize_kernel,
        grid=(b,),
        in_specs=[
            pl.BlockSpec((1, SUB, LANE), lambda i: (i, 0, 0)),
            pl.BlockSpec((1, 1, 16), lambda i: (i, 0, 0)),
            pl.BlockSpec((1, 1, 16), lambda i: (i, 0, 0)),
        ],
        out_specs=pl.BlockSpec((1, SUB, LANE), lambda i: (i, 0, 0)),
        out_shape=jax.ShapeDtypeStruct((b, SUB, LANE), jnp.float32),
    )(x, keys, svals)
    return out.reshape(b, PADDED)[:, :v]

# --- scband reference (transcript-rebuilt; emitter-appended) ---
"""Pipeline reference for scband-caption-model-53240414601810 (READ-ONLY COPY).

The authoritative reference and input builder live on the scoring server;
editing this copy changes nothing except your own understanding.
"""

import jax, jax.numpy as jnp
import numpy as np

# Constants corresponding to sample_next_word(logprobs, sample_method='top0.9', temperature=1.0).
# We implement the deterministic nucleus (top-p) masking path: the in-place scatter_ of
# renormalized log-probabilities back into vocab order. This is the topk_masking core of the module.
TOP_P = 0.9
TEMPERATURE = 1.0


def setup_inputs(seed: int = 0) -> dict:
    key = jax.random.key(seed)
    logprobs = jax.random.normal(key, (32, 1000000), dtype=jnp.float32)
    return {"logprobs": logprobs}


def reference(logprobs):
    lp = logprobs / TEMPERATURE
    # probs = F.softmax(logprobs, dim=1)
    probs = jax.nn.softmax(lp, axis=1)
    # sorted_probs, sorted_indices = torch.sort(probs, descending=True, dim=1)
    sorted_indices = jnp.argsort(-probs, axis=1)
    sorted_probs = jnp.take_along_axis(probs, sorted_indices, axis=1)
    # _cumsum = sorted_probs.cumsum(1); mask = _cumsum < top_num
    csum = jnp.cumsum(sorted_probs, axis=1)
    mask = csum < TOP_P
    # mask = cat([ones_like(mask[:, :1]), mask[:, :-1]], 1)
    mask = jnp.concatenate([jnp.ones_like(mask[:, :1]), mask[:, :-1]], axis=1)
    # sorted_probs = sorted_probs * mask.float(); renormalize
    masked = sorted_probs * mask.astype(sorted_probs.dtype)
    renorm = masked / jnp.sum(masked, axis=1, keepdims=True)
    # log of renormalized probs; masked-out entries are log(0) = -inf (matches torch)
    logv = jnp.where(mask, jnp.log(jnp.where(mask, renorm, 1.0)), -jnp.inf)
    # logprobs.scatter_(1, sorted_indices, sorted_probs.log())
    B = lp.shape[0]
    rows = jnp.arange(B)[:, None]
    out = jnp.zeros_like(lp).at[rows, sorted_indices].set(logv)
    return out

if __name__ == "__main__":
    import jax
    _d = setup_inputs()
    print(jax.jit(kernel)(*tuple(_d.values())))

</pallas_src>

<mosaic_0001>
#map = affine_map<(d0, d1) -> (0, 0, 0)>
#map1 = affine_map<(d0, d1) -> (0)>
module attributes {stable_mosaic.version = 14 : i64} {
  func.func @_sc_body(%arg0: i32, %arg1: i32, %arg2: memref<32x8192x128xf32, #tpu.memory_space<hbm>>, %arg3: memref<1024xi32, #tpu.memory_space<hbm>>, %arg4: memref<256x128xf32, #tpu.memory_space<vmem>>, %arg5: memref<65536xf32, #tpu.memory_space<vmem>>, %arg6: memref<16xi32, #tpu.memory_space<vmem>>, %arg7: memref<16xi32, #tpu.memory_space<vmem>>, %arg8: memref<!tpu.dma_semaphore, #tpu.memory_space<semaphore_mem>>, %arg9: memref<!tpu.dma_semaphore, #tpu.memory_space<semaphore_mem>>) attributes {dimension_semantics = [#tpu.dimension_semantics<core_parallel>, #tpu.dimension_semantics<subcore_parallel>], iteration_bounds = array<i64: 2, 16>, scalar_prefetch = 0 : i64, scratch_operands = 6 : i64, tpu.core_type = #tpu.core_type<sc_vector_subcore>, window_params = [{transform_indices = #map}, {transform_indices = #map1}]} {
    %mul3A = arith.constant 16 : i32
    %mul3A_0 = arith.muli %arg0, %mul3A : i32
    %add3A = arith.addi %mul3A_0, %arg1 : i32
    %iota3A = tpu.iota {dimensions = array<i32: 0>} : vector<16xi32>
    %broadcast_in_dim3A = arith.constant 0.000000e+00 : f32
    %broadcast_in_dim3A_1 = vector.broadcast %broadcast_in_dim3A : f32 to vector<16xf32>
    %parallel_loop3A = arith.constant 0 : i32
    %parallel_loop3A_2 = arith.constant 4096 : i32
    %parallel_loop3A_3 = arith.constant 1 : i32
    scf.for %parallel_loop3A_77 = %parallel_loop3A to %parallel_loop3A_2 step %parallel_loop3A_3  : i32 {
      %parallel_loop3A_78 = arith.constant 16 : i32
      %parallel_loop3A_79 = arith.muli %parallel_loop3A_77, %parallel_loop3A_78 : i32
      %parallel_loop3A_80 = arith.index_cast %parallel_loop3A_79 : i32 to index
      %parallel_loop3A_81 = tpu.vector_load %arg5[%parallel_loop3A_80] {strides = array<i32>} : memref<65536xf32, #tpu.memory_space<vmem>>, vector<16xf32>,
      tpu.vector_store %arg5[%parallel_loop3A_80], %broadcast_in_dim3A_1 {strides = array<i32>} : memref<65536xf32, #tpu.memory_space<vmem>>, vector<16xf32>,
    } {sc.loop_unroll_factor = 8 : i64, sc.parallel_access}
    %dma_start3A = arith.constant 0 : i32
    %dma_start3A_4 = arith.constant 0 : i32
    %dma_start3A_5 = tpu.memref_slice %arg4[%dma_start3A, %dma_start3A_4] : memref<256x128xf32, #tpu.memory_space<vmem>> -> memref<128x128xf32, #tpu.memory_space<vmem>>
    %dma_start3A_6 = arith.constant 0 : i32
    %dma_start3A_7 = arith.constant 0 : i32
    %dma_start3A_8 = tpu.memref_slice %arg2[%add3A, %dma_start3A_6, %dma_start3A_7] : memref<32x8192x128xf32, #tpu.memory_space<hbm>> -> memref<1x128x128xf32, #tpu.memory_space<hbm>>
    %dma_start3A_9 = tpu.memref_squeeze %dma_start3A_8 : memref<1x128x128xf32, #tpu.memory_space<hbm>> -> memref<128x128xf32, #tpu.memory_space<hbm>>
    %dma_start3A_10 = arith.constant 0 : i32
    %dma_start3A_11 = arith.constant 0 : i32
    %dma_start3A_12 = tpu.memref_slice %arg4[%dma_start3A_10, %dma_start3A_11] : memref<256x128xf32, #tpu.memory_space<vmem>> -> memref<128x128xf32, #tpu.memory_space<vmem>>
    %dma_start3A_13 = arith.constant 0 : i32
    %dma_start3A_14 = arith.constant 0 : i32
    %dma_start3A_15 = tpu.memref_slice %arg2[%add3A, %dma_start3A_13, %dma_start3A_14] : memref<32x8192x128xf32, #tpu.memory_space<hbm>> -> memref<1x128x128xf32, #tpu.memory_space<hbm>>
    %dma_start3A_16 = tpu.memref_squeeze %dma_start3A_15 : memref<1x128x128xf32, #tpu.memory_space<hbm>> -> memref<128x128xf32, #tpu.memory_space<hbm>>
    tpu.enqueue_dma source(%dma_start3A_16 : memref<128x128xf32, #tpu.memory_space<hbm>>) target(%dma_start3A_12 : memref<128x128xf32, #tpu.memory_space<vmem>>) target_semaphore(%arg8 : memref<!tpu.dma_semaphore, #tpu.memory_space<semaphore_mem>>)
    %scan3A = arith.constant 0 : i32
    %scan3A_17 = arith.constant 32 : i32
    %scan3A_18 = arith.addi %scan3A, %scan3A_17 : i32
    %scan3A_19 = arith.constant 1 : i32
    %scan3A_20 = scf.for %scan3A_77 = %scan3A to %scan3A_18 step %scan3A_19 iter_args(%scan3A_78 = %broadcast_in_dim3A_1) -> (vector<16xf32>)  : i32 {
      %mul3A_79 = arith.constant 2 : i32
      %mul3A_80 = arith.muli %mul3A_79, %scan3A_77 : i32
      %mul3A_81 = arith.constant 128 : i32
      %mul3A_82 = arith.muli %mul3A_80, %mul3A_81 : i32
      %dma_wait3A = arith.constant 0 : i32
      %dma_wait3A_83 = arith.constant 0 : i32
      %dma_wait3A_84 = tpu.memref_slice %arg4[%dma_wait3A, %dma_wait3A_83] : memref<256x128xf32, #tpu.memory_space<vmem>> -> memref<128x128xf32, #tpu.memory_space<vmem>>
      %dma_wait3A_85 = arith.constant 0 : i32
      %dma_wait3A_86 = tpu.memref_slice %arg2[%add3A, %mul3A_82, %dma_wait3A_85] : memref<32x8192x128xf32, #tpu.memory_space<hbm>> -> memref<1x128x128xf32, #tpu.memory_space<hbm>>
      %dma_wait3A_87 = tpu.memref_squeeze %dma_wait3A_86 : memref<1x128x128xf32, #tpu.memory_space<hbm>> -> memref<128x128xf32, #tpu.memory_space<hbm>>
      %dma_wait3A_88 = arith.constant 0 : i32
      %dma_wait3A_89 = arith.constant 0 : i32
      %dma_wait3A_90 = tpu.memref_slice %arg4[%dma_wait3A_88, %dma_wait3A_89] : memref<256x128xf32, #tpu.memory_space<vmem>> -> memref<128x128xf32, #tpu.memory_space<vmem>>
      %dma_wait3A_91 = arith.constant 0 : i32
      %dma_wait3A_92 = tpu.memref_slice %arg2[%add3A, %mul3A_82, %dma_wait3A_91] : memref<32x8192x128xf32, #tpu.memory_space<hbm>> -> memref<1x128x128xf32, #tpu.memory_space<hbm>>
      %dma_wait3A_93 = tpu.memref_squeeze %dma_wait3A_92 : memref<1x128x128xf32, #tpu.memory_space<hbm>> -> memref<128x128xf32, #tpu.memory_space<hbm>>
      tpu.wait_dma2 semaphore(%arg8 : memref<!tpu.dma_semaphore, #tpu.memory_space<semaphore_mem>>) src(%dma_wait3A_93 : memref<128x128xf32, #tpu.memory_space<hbm>>) dst(%dma_wait3A_90 : memref<128x128xf32, #tpu.memory_space<vmem>>)
      %add3A_94 = arith.constant 1 : i32
      %add3A_95 = arith.addi %mul3A_80, %add3A_94 : i32
      %mul3A_96 = arith.constant 128 : i32
      %mul3A_97 = arith.muli %add3A_95, %mul3A_96 : i32
      %dma_start3A_98 = arith.constant 128 : i32
      %dma_start3A_99 = arith.constant 0 : i32
      %dma_start3A_100 = tpu.memref_slice %arg4[%dma_start3A_98, %dma_start3A_99] : memref<256x128xf32, #tpu.memory_space<vmem>> -> memref<128x128xf32, #tpu.memory_space<vmem>>
      %dma_start3A_101 = arith.constant 0 : i32
      %dma_start3A_102 = tpu.memref_slice %arg2[%add3A, %mul3A_97, %dma_start3A_101] : memref<32x8192x128xf32, #tpu.memory_space<hbm>> -> memref<1x128x128xf32, #tpu.memory_space<hbm>>
      %dma_start3A_103 = tpu.memref_squeeze %dma_start3A_102 : memref<1x128x128xf32, #tpu.memory_space<hbm>> -> memref<128x128xf32, #tpu.memory_space<hbm>>
      %dma_start3A_104 = arith.constant 128 : i32
      %dma_start3A_105 = arith.constant 0 : i32
      %dma_start3A_106 = tpu.memref_slice %arg4[%dma_start3A_104, %dma_start3A_105] : memref<256x128xf32, #tpu.memory_space<vmem>> -> memref<128x128xf32, #tpu.memory_space<vmem>>
      %dma_start3A_107 = arith.constant 0 : i32
      %dma_start3A_108 = tpu.memref_slice %arg2[%add3A, %mul3A_97, %dma_start3A_107] : memref<32x8192x128xf32, #tpu.memory_space<hbm>> -> memref<1x128x128xf32, #tpu.memory_space<hbm>>
      %dma_start3A_109 = tpu.memref_squeeze %dma_start3A_108 : memref<1x128x128xf32, #tpu.memory_space<hbm>> -> memref<128x128xf32, #tpu.memory_space<hbm>>
      tpu.enqueue_dma source(%dma_start3A_109 : memref<128x128xf32, #tpu.memory_space<hbm>>) target(%dma_start3A_106 : memref<128x128xf32, #tpu.memory_space<vmem>>) target_semaphore(%arg9 : memref<!tpu.dma_semaphore, #tpu.memory_space<semaphore_mem>>)
      %parallel_loop3A_110 = arith.constant 0 : i32
      %parallel_loop3A_111 = arith.constant 1024 : i32
      %parallel_loop3A_112 = arith.constant 1 : i32
      %parallel_loop3A_113 = scf.for %parallel_loop3A_138 = %parallel_loop3A_110 to %parallel_loop3A_111 step %parallel_loop3A_112 iter_args(%parallel_loop3A_139 = %scan3A_78) -> (vector<16xf32>)  : i32 {
        %parallel_loop3A_140 = arith.constant 3 : i32
        %parallel_loop3A_141 = arith.shrsi %parallel_loop3A_138, %parallel_loop3A_140 : i32
        %parallel_loop3A_142 = arith.constant 0 : i32
        %parallel_loop3A_143 = arith.addi %parallel_loop3A_142, %parallel_loop3A_141 : i32
        %parallel_loop3A_144 = arith.constant 7 : i32
        %parallel_loop3A_145 = arith.andi %parallel_loop3A_138, %parallel_loop3A_144 : i32
        %parallel_loop3A_146 = arith.constant 16 : i32
        %parallel_loop3A_147 = arith.muli %parallel_loop3A_145, %parallel_loop3A_146 : i32
        %parallel_loop3A_148 = arith.index_cast %parallel_loop3A_143 : i32 to index
        %parallel_loop3A_149 = arith.index_cast %parallel_loop3A_147 : i32 to index
        %parallel_loop3A_150 = tpu.vector_load %arg4[%parallel_loop3A_148, %parallel_loop3A_149] {strides = array<i32>} : memref<256x128xf32, #tpu.memory_space<vmem>>, vector<16xf32>,
        %parallel_loop3A_151 = tpu.bitcast %parallel_loop3A_150 : vector<16xf32> -> vector<16xi32>
        %parallel_loop3A_152 = arith.constant 0.000000e+00 : f32
        %parallel_loop3A_153 = vector.broadcast %parallel_loop3A_152 : f32 to vector<16xf32>
        %parallel_loop3A_154 = arith.cmpf olt, %parallel_loop3A_150, %parallel_loop3A_153 : vector<16xf32>
        %parallel_loop3A_155 = arith.constant dense<-1> : vector<16xi32>
        %parallel_loop3A_156 = arith.xori %parallel_loop3A_151, %parallel_loop3A_155 : vector<16xi32>
        %parallel_loop3A_157 = arith.constant -2147483648 : i32
        %parallel_loop3A_158 = vector.broadcast %parallel_loop3A_157 : i32 to vector<16xi32>
        %parallel_loop3A_159 = arith.xori %parallel_loop3A_151, %parallel_loop3A_158 : vector<16xi32>
        %parallel_loop3A_160 = arith.select %parallel_loop3A_154, %parallel_loop3A_156, %parallel_loop3A_159 : vector<16xi1>, vector<16xi32>
        %parallel_loop3A_161 = math.exp %parallel_loop3A_150 : vector<16xf32>
        %parallel_loop3A_162 = arith.constant 20 : i32
        %parallel_loop3A_163 = vector.broadcast %parallel_loop3A_162 : i32 to vector<16xi32>
        %parallel_loop3A_164 = arith.shrui %parallel_loop3A_160, %parallel_loop3A_163 : vector<16xi32>
        %parallel_loop3A_165 = arith.constant 4 : i32
        %parallel_loop3A_166 = vector.broadcast %parallel_loop3A_165 : i32 to vector<16xi32>
        %parallel_loop3A_167 = arith.shli %parallel_loop3A_164, %parallel_loop3A_166 : vector<16xi32>
        %parallel_loop3A_168 = arith.addi %parallel_loop3A_167, %iota3A : vector<16xi32>
        tpu.vector_store_idx %arg5[%parallel_loop3A_168], %parallel_loop3A_161 {add = true} : memref<65536xf32, #tpu.memory_space<vmem>>[vector<16xi32>], vector<16xf32>,
        %parallel_loop3A_169 = arith.addf %parallel_loop3A_139, %parallel_loop3A_161 : vector<16xf32>
        scf.yield %parallel_loop3A_169 : vector<16xf32>
      } {sc.loop_unroll_factor = 8 : i64, sc.parallel_access}
      %add3A_114 = arith.constant 1 : i32
      %add3A_115 = arith.addi %mul3A_80, %add3A_114 : i32
      %mul3A_116 = arith.constant 128 : i32
      %mul3A_117 = arith.muli %add3A_115, %mul3A_116 : i32
      %dma_wait3A_118 = arith.constant 128 : i32
      %dma_wait3A_119 = arith.constant 0 : i32
      %dma_wait3A_120 = tpu.memref_slice %arg4[%dma_wait3A_118, %dma_wait3A_119] : memref<256x128xf32, #tpu.memory_space<vmem>> -> memref<128x128xf32, #tpu.memory_space<vmem>>
      %dma_wait3A_121 = arith.constant 0 : i32
      %dma_wait3A_122 = tpu.memref_slice %arg2[%add3A, %mul3A_117, %dma_wait3A_121] : memref<32x8192x128xf32, #tpu.memory_space<hbm>> -> memref<1x128x128xf32, #tpu.memory_space<hbm>>
      %dma_wait3A_123 = tpu.memref_squeeze %dma_wait3A_122 : memref<1x128x128xf32, #tpu.memory_space<hbm>> -> memref<128x128xf32, #tpu.memory_space<hbm>>
      %dma_wait3A_124 = arith.constant 128 : i32
      %dma_wait3A_125 = arith.constant 0 : i32
      %dma_wait3A_126 = tpu.memref_slice %arg4[%dma_wait3A_124, %dma_wait3A_125] : memref<256x128xf32, #tpu.memory_space<vmem>> -> memref<128x128xf32, #tpu.memory_space<vmem>>
      %dma_wait3A_127 = arith.constant 0 : i32
      %dma_wait3A_128 = tpu.memref_slice %arg2[%add3A, %mul3A_117, %dma_wait3A_127] : memref<32x8192x128xf32, #tpu.memory_space<hbm>> -> memref<1x128x128xf32, #tpu.memory_space<hbm>>
      %dma_wait3A_129 = tpu.memref_squeeze %dma_wait3A_128 : memref<1x128x128xf32, #tpu.memory_space<hbm>> -> memref<128x128xf32, #tpu.memory_space<hbm>>
      tpu.wait_dma2 semaphore(%arg9 : memref<!tpu.dma_semaphore, #tpu.memory_space<semaphore_mem>>) src(%dma_wait3A_129 : memref<128x128xf32, #tpu.memory_space<hbm>>) dst(%dma_wait3A_126 : memref<128x128xf32, #tpu.memory_space<vmem>>)
      %add3A_130 = arith.constant 2 : i32
      %add3A_131 = arith.addi %mul3A_80, %add3A_130 : i32
      %lt3A = arith.constant 64 : i32
      %lt3A_132 = arith.cmpi slt, %add3A_131, %lt3A : i32
      %convert_element_type3A = arith.extui %lt3A_132 : i1 to i32
      %cond3A = arith.constant 0 : i32
      %cond3A_133 = arith.cmpi ne, %convert_element_type3A, %cond3A : i32
      scf.if %cond3A_133 {
        %add3A_138 = arith.constant 2 : i32
        %add3A_139 = arith.addi %mul3A_80, %add3A_138 : i32
        %mul3A_140 = arith.constant 128 : i32
        %mul3A_141 = arith.muli %add3A_139, %mul3A_140 : i32
        %dma_start3A_142 = arith.constant 0 : i32
        %dma_start3A_143 = arith.constant 0 : i32
        %dma_start3A_144 = tpu.memref_slice %arg4[%dma_start3A_142, %dma_start3A_143] : memref<256x128xf32, #tpu.memory_space<vmem>> -> memref<128x128xf32, #tpu.memory_space<vmem>>
        %dma_start3A_145 = arith.constant 0 : i32
        %dma_start3A_146 = tpu.memref_slice %arg2[%add3A, %mul3A_141, %dma_start3A_145] : memref<32x8192x128xf32, #tpu.memory_space<hbm>> -> memref<1x128x128xf32, #tpu.memory_space<hbm>>
        %dma_start3A_147 = tpu.memref_squeeze %dma_start3A_146 : memref<1x128x128xf32, #tpu.memory_space<hbm>> -> memref<128x128xf32, #tpu.memory_space<hbm>>
        %dma_start3A_148 = arith.constant 0 : i32
        %dma_start3A_149 = arith.constant 0 : i32
        %dma_start3A_150 = tpu.memref_slice %arg4[%dma_start3A_148, %dma_start3A_149] : memref<256x128xf32, #tpu.memory_space<vmem>> -> memref<128x128xf32, #tpu.memory_space<vmem>>
        %dma_start3A_151 = arith.constant 0 : i32
        %dma_start3A_152 = tpu.memref_slice %arg2[%add3A, %mul3A_141, %dma_start3A_151] : memref<32x8192x128xf32, #tpu.memory_space<hbm>> -> memref<1x128x128xf32, #tpu.memory_space<hbm>>
        %dma_start3A_153 = tpu.memref_squeeze %dma_start3A_152 : memref<1x128x128xf32, #tpu.memory_space<hbm>> -> memref<128x128xf32, #tpu.memory_space<hbm>>
        tpu.enqueue_dma source(%dma_start3A_153 : memref<128x128xf32, #tpu.memory_space<hbm>>) target(%dma_start3A_150 : memref<128x128xf32, #tpu.memory_space<vmem>>) target_semaphore(%arg8 : memref<!tpu.dma_semaphore, #tpu.memory_space<semaphore_mem>>)
      } else {
      }
      %parallel_loop3A_134 = arith.constant 0 : i32
      %parallel_loop3A_135 = arith.constant 1024 : i32
      %parallel_loop3A_136 = arith.constant 1 : i32
      %parallel_loop3A_137 = scf.for %parallel_loop3A_138 = %parallel_loop3A_134 to %parallel_loop3A_135 step %parallel_loop3A_136 iter_args(%parallel_loop3A_139 = %parallel_loop3A_113) -> (vector<16xf32>)  : i32 {
        %parallel_loop3A_140 = arith.constant 3 : i32
        %parallel_loop3A_141 = arith.shrsi %parallel_loop3A_138, %parallel_loop3A_140 : i32
        %parallel_loop3A_142 = arith.constant 128 : i32
        %parallel_loop3A_143 = arith.addi %parallel_loop3A_142, %parallel_loop3A_141 : i32
        %parallel_loop3A_144 = arith.constant 7 : i32
        %parallel_loop3A_145 = arith.andi %parallel_loop3A_138, %parallel_loop3A_144 : i32
        %parallel_loop3A_146 = arith.constant 16 : i32
        %parallel_loop3A_147 = arith.muli %parallel_loop3A_145, %parallel_loop3A_146 : i32
        %parallel_loop3A_148 = arith.index_cast %parallel_loop3A_143 : i32 to index
        %parallel_loop3A_149 = arith.index_cast %parallel_loop3A_147 : i32 to index
        %parallel_loop3A_150 = tpu.vector_load %arg4[%parallel_loop3A_148, %parallel_loop3A_149] {strides = array<i32>} : memref<256x128xf32, #tpu.memory_space<vmem>>, vector<16xf32>,
        %parallel_loop3A_151 = tpu.bitcast %parallel_loop3A_150 : vector<16xf32> -> vector<16xi32>
        %parallel_loop3A_152 = arith.constant 0.000000e+00 : f32
        %parallel_loop3A_153 = vector.broadcast %parallel_loop3A_152 : f32 to vector<16xf32>
        %parallel_loop3A_154 = arith.cmpf olt, %parallel_loop3A_150, %parallel_loop3A_153 : vector<16xf32>
        %parallel_loop3A_155 = arith.constant dense<-1> : vector<16xi32>
        %parallel_loop3A_156 = arith.xori %parallel_loop3A_151, %parallel_loop3A_155 : vector<16xi32>
        %parallel_loop3A_157 = arith.constant -2147483648 : i32
        %parallel_loop3A_158 = vector.broadcast %parallel_loop3A_157 : i32 to vector<16xi32>
        %parallel_loop3A_159 = arith.xori %parallel_loop3A_151, %parallel_loop3A_158 : vector<16xi32>
        %parallel_loop3A_160 = arith.select %parallel_loop3A_154, %parallel_loop3A_156, %parallel_loop3A_159 : vector<16xi1>, vector<16xi32>
        %parallel_loop3A_161 = math.exp %parallel_loop3A_150 : vector<16xf32>
        %parallel_loop3A_162 = arith.constant 20 : i32
        %parallel_loop3A_163 = vector.broadcast %parallel_loop3A_162 : i32 to vector<16xi32>
        %parallel_loop3A_164 = arith.shrui %parallel_loop3A_160, %parallel_loop3A_163 : vector<16xi32>
        %parallel_loop3A_165 = arith.constant 4 : i32
        %parallel_loop3A_166 = vector.broadcast %parallel_loop3A_165 : i32 to vector<16xi32>
        %parallel_loop3A_167 = arith.shli %parallel_loop3A_164, %parallel_loop3A_166 : vector<16xi32>
        %parallel_loop3A_168 = arith.addi %parallel_loop3A_167, %iota3A : vector<16xi32>
        tpu.vector_store_idx %arg5[%parallel_loop3A_168], %parallel_loop3A_161 {add = true} : memref<65536xf32, #tpu.memory_space<vmem>>[vector<16xi32>], vector<16xf32>,
        %parallel_loop3A_169 = arith.addf %parallel_loop3A_139, %parallel_loop3A_161 : vector<16xf32>
        scf.yield %parallel_loop3A_169 : vector<16xf32>
      } {sc.loop_unroll_factor = 8 : i64, sc.parallel_access}
      scf.yield %parallel_loop3A_137 : vector<16xf32>
    }
    %scan3A_21 = arith.constant 32 : i32
    %reduce_sum3A = arith.constant true
    %reduce_sum3A_22 = vector.broadcast %reduce_sum3A : i1 to vector<16xi1>
    %reduce_sum3A_23 = tpu.scan <sum>, %scan3A_20 masked %reduce_sum3A_22 : vector<16xf32>, vector<16xi1> -> vector<16xf32>
    %reduce_sum3A_24 = vector.extract %reduce_sum3A_23[15] : f32 from vector<16xf32>
    %mul3A_25 = arith.constant 0.899999976 : f32
    %mul3A_26 = arith.mulf %mul3A_25, %reduce_sum3A_24 : f32
    %parallel_loop3A_27 = arith.constant 0 : i32
    %parallel_loop3A_28 = arith.constant 4096 : i32
    %parallel_loop3A_29 = arith.constant 1 : i32
    %parallel_loop3A_30 = arith.constant 0.000000e+00 : f32
    %parallel_loop3A_31 = arith.constant 0 : i32
    %parallel_loop3A_32 = arith.constant 0.000000e+00 : f32
    %parallel_loop3A_33 = arith.constant 0.000000e+00 : f32
    %parallel_loop3A_34:4 = scf.for %parallel_loop3A_77 = %parallel_loop3A_27 to %parallel_loop3A_28 step %parallel_loop3A_29 iter_args(%parallel_loop3A_78 = %parallel_loop3A_30, %parallel_loop3A_79 = %parallel_loop3A_31, %parallel_loop3A_80 = %parallel_loop3A_32, %parallel_loop3A_81 = %parallel_loop3A_33) -> (f32, i32, f32, f32)  : i32 {
      %parallel_loop3A_82 = arith.constant 4095 : i32
      %parallel_loop3A_83 = arith.subi %parallel_loop3A_82, %parallel_loop3A_77 : i32
      %parallel_loop3A_84 = arith.constant 16 : i32
      %parallel_loop3A_85 = arith.muli %parallel_loop3A_83, %parallel_loop3A_84 : i32
      %parallel_loop3A_86 = arith.index_cast %parallel_loop3A_85 : i32 to index
      %parallel_loop3A_87 = tpu.vector_load %arg5[%parallel_loop3A_86] {strides = array<i32>} : memref<65536xf32, #tpu.memory_space<vmem>>, vector<16xf32>,
      %parallel_loop3A_88 = arith.constant true
      %parallel_loop3A_89 = vector.broadcast %parallel_loop3A_88 : i1 to vector<16xi1>
      %parallel_loop3A_90 = tpu.scan <sum>, %parallel_loop3A_87 masked %parallel_loop3A_89 : vector<16xf32>, vector<16xi1> -> vector<16xf32>
      %parallel_loop3A_91 = vector.extract %parallel_loop3A_90[15] : f32 from vector<16xf32>
      %parallel_loop3A_92 = arith.constant 16 : i32
      %parallel_loop3A_93 = arith.muli %parallel_loop3A_83, %parallel_loop3A_92 : i32
      %parallel_loop3A_94 = arith.index_cast %parallel_loop3A_93 : i32 to index
      %parallel_loop3A_95 = tpu.vector_load %arg5[%parallel_loop3A_94] {strides = array<i32>} : memref<65536xf32, #tpu.memory_space<vmem>>, vector<16xf32>,
      tpu.vector_store %arg5[%parallel_loop3A_94], %broadcast_in_dim3A_1 {strides = array<i32>} : memref<65536xf32, #tpu.memory_space<vmem>>, vector<16xf32>,
      %parallel_loop3A_96 = arith.addf %parallel_loop3A_78, %parallel_loop3A_91 : f32
      %parallel_loop3A_97 = arith.cmpf olt, %parallel_loop3A_78, %mul3A_26 : f32
      %parallel_loop3A_98 = arith.cmpf oge, %parallel_loop3A_96, %mul3A_26 : f32
      %parallel_loop3A_99 = arith.andi %parallel_loop3A_97, %parallel_loop3A_98 : i1
      %parallel_loop3A_100 = arith.select %parallel_loop3A_99, %parallel_loop3A_83, %parallel_loop3A_79 : i32
      %parallel_loop3A_101 = arith.select %parallel_loop3A_99, %parallel_loop3A_96, %parallel_loop3A_80 : f32
      %parallel_loop3A_102 = arith.select %parallel_loop3A_99, %parallel_loop3A_91, %parallel_loop3A_81 : f32
      scf.yield %parallel_loop3A_96, %parallel_loop3A_100, %parallel_loop3A_101, %parallel_loop3A_102 : f32, i32, f32, f32
    } {sc.loop_unroll_factor = 8 : i64, sc.parallel_access}
    %sub3A = arith.subf %parallel_loop3A_34#2, %parallel_loop3A_34#3 : f32
    %dma_start3A_35 = arith.constant 0 : i32
    %dma_start3A_36 = arith.constant 0 : i32
    %dma_start3A_37 = tpu.memref_slice %arg4[%dma_start3A_35, %dma_start3A_36] : memref<256x128xf32, #tpu.memory_space<vmem>> -> memref<128x128xf32, #tpu.memory_space<vmem>>
    %dma_start3A_38 = arith.constant 0 : i32
    %dma_start3A_39 = arith.constant 0 : i32
    %dma_start3A_40 = tpu.memref_slice %arg2[%add3A, %dma_start3A_38, %dma_start3A_39] : memref<32x8192x128xf32, #tpu.memory_space<hbm>> -> memref<1x128x128xf32, #tpu.memory_space<hbm>>
    %dma_start3A_41 = tpu.memref_squeeze %dma_start3A_40 : memref<1x128x128xf32, #tpu.memory_space<hbm>> -> memref<128x128xf32, #tpu.memory_space<hbm>>
    %dma_start3A_42 = arith.constant 0 : i32
    %dma_start3A_43 = arith.constant 0 : i32
    %dma_start3A_44 = tpu.memref_slice %arg4[%dma_start3A_42, %dma_start3A_43] : memref<256x128xf32, #tpu.memory_space<vmem>> -> memref<128x128xf32, #tpu.memory_space<vmem>>
    %dma_start3A_45 = arith.constant 0 : i32
    %dma_start3A_46 = arith.constant 0 : i32
    %dma_start3A_47 = tpu.memref_slice %arg2[%add3A, %dma_start3A_45, %dma_start3A_46] : memref<32x8192x128xf32, #tpu.memory_space<hbm>> -> memref<1x128x128xf32, #tpu.memory_space<hbm>>
    %dma_start3A_48 = tpu.memref_squeeze %dma_start3A_47 : memref<1x128x128xf32, #tpu.memory_space<hbm>> -> memref<128x128xf32, #tpu.memory_space<hbm>>
    tpu.enqueue_dma source(%dma_start3A_48 : memref<128x128xf32, #tpu.memory_space<hbm>>) target(%dma_start3A_44 : memref<128x128xf32, #tpu.memory_space<vmem>>) target_semaphore(%arg8 : memref<!tpu.dma_semaphore, #tpu.memory_space<semaphore_mem>>)
    %scan3A_49 = arith.constant 0 : i32
    %scan3A_50 = arith.constant 0 : i32
    %scan3A_51 = arith.constant 32 : i32
    %scan3A_52 = arith.addi %scan3A_50, %scan3A_51 : i32
    %scan3A_53 = arith.constant 1 : i32
    scf.for %scan3A_77 = %scan3A_50 to %scan3A_52 step %scan3A_53  : i32 {
      %mul3A_78 = arith.constant 2 : i32
      %mul3A_79 = arith.muli %mul3A_78, %scan3A_77 : i32
      %mul3A_80 = arith.constant 128 : i32
      %mul3A_81 = arith.muli %mul3A_79, %mul3A_80 : i32
      %dma_wait3A = arith.constant 0 : i32
      %dma_wait3A_82 = arith.constant 0 : i32
      %dma_wait3A_83 = tpu.memref_slice %arg4[%dma_wait3A, %dma_wait3A_82] : memref<256x128xf32, #tpu.memory_space<vmem>> -> memref<128x128xf32, #tpu.memory_space<vmem>>
      %dma_wait3A_84 = arith.constant 0 : i32
      %dma_wait3A_85 = tpu.memref_slice %arg2[%add3A, %mul3A_81, %dma_wait3A_84] : memref<32x8192x128xf32, #tpu.memory_space<hbm>> -> memref<1x128x128xf32, #tpu.memory_space<hbm>>
      %dma_wait3A_86 = tpu.memref_squeeze %dma_wait3A_85 : memref<1x128x128xf32, #tpu.memory_space<hbm>> -> memref<128x128xf32, #tpu.memory_space<hbm>>
      %dma_wait3A_87 = arith.constant 0 : i32
      %dma_wait3A_88 = arith.constant 0 : i32
      %dma_wait3A_89 = tpu.memref_slice %arg4[%dma_wait3A_87, %dma_wait3A_88] : memref<256x128xf32, #tpu.memory_space<vmem>> -> memref<128x128xf32, #tpu.memory_space<vmem>>
      %dma_wait3A_90 = arith.constant 0 : i32
      %dma_wait3A_91 = tpu.memref_slice %arg2[%add3A, %mul3A_81, %dma_wait3A_90] : memref<32x8192x128xf32, #tpu.memory_space<hbm>> -> memref<1x128x128xf32, #tpu.memory_space<hbm>>
      %dma_wait3A_92 = tpu.memref_squeeze %dma_wait3A_91 : memref<1x128x128xf32, #tpu.memory_space<hbm>> -> memref<128x128xf32, #tpu.memory_space<hbm>>
      tpu.wait_dma2 semaphore(%arg8 : memref<!tpu.dma_semaphore, #tpu.memory_space<semaphore_mem>>) src(%dma_wait3A_92 : memref<128x128xf32, #tpu.memory_space<hbm>>) dst(%dma_wait3A_89 : memref<128x128xf32, #tpu.memory_space<vmem>>)
      %add3A_93 = arith.constant 1 : i32
      %add3A_94 = arith.addi %mul3A_79, %add3A_93 : i32
      %mul3A_95 = arith.constant 128 : i32
      %mul3A_96 = arith.muli %add3A_94, %mul3A_95 : i32
      %dma_start3A_97 = arith.constant 128 : i32
      %dma_start3A_98 = arith.constant 0 : i32
      %dma_start3A_99 = tpu.memref_slice %arg4[%dma_start3A_97, %dma_start3A_98] : memref<256x128xf32, #tpu.memory_space<vmem>> -> memref<128x128xf32, #tpu.memory_space<vmem>>
      %dma_start3A_100 = arith.constant 0 : i32
      %dma_start3A_101 = tpu.memref_slice %arg2[%add3A, %mul3A_96, %dma_start3A_100] : memref<32x8192x128xf32, #tpu.memory_space<hbm>> -> memref<1x128x128xf32, #tpu.memory_space<hbm>>
      %dma_start3A_102 = tpu.memref_squeeze %dma_start3A_101 : memref<1x128x128xf32, #tpu.memory_space<hbm>> -> memref<128x128xf32, #tpu.memory_space<hbm>>
      %dma_start3A_103 = arith.constant 128 : i32
      %dma_start3A_104 = arith.constant 0 : i32
      %dma_start3A_105 = tpu.memref_slice %arg4[%dma_start3A_103, %dma_start3A_104] : memref<256x128xf32, #tpu.memory_space<vmem>> -> memref<128x128xf32, #tpu.memory_space<vmem>>
      %dma_start3A_106 = arith.constant 0 : i32
      %dma_start3A_107 = tpu.memref_slice %arg2[%add3A, %mul3A_96, %dma_start3A_106] : memref<32x8192x128xf32, #tpu.memory_space<hbm>> -> memref<1x128x128xf32, #tpu.memory_space<hbm>>
      %dma_start3A_108 = tpu.memref_squeeze %dma_start3A_107 : memref<1x128x128xf32, #tpu.memory_space<hbm>> -> memref<128x128xf32, #tpu.memory_space<hbm>>
      tpu.enqueue_dma source(%dma_start3A_108 : memref<128x128xf32, #tpu.memory_space<hbm>>) target(%dma_start3A_105 : memref<128x128xf32, #tpu.memory_space<vmem>>) target_semaphore(%arg9 : memref<!tpu.dma_semaphore, #tpu.memory_space<semaphore_mem>>)
      %parallel_loop3A_109 = arith.constant 0 : i32
      %parallel_loop3A_110 = arith.constant 1024 : i32
      %parallel_loop3A_111 = arith.constant 1 : i32
      scf.for %parallel_loop3A_135 = %parallel_loop3A_109 to %parallel_loop3A_110 step %parallel_loop3A_111  : i32 {
        %parallel_loop3A_136 = arith.constant 3 : i32
        %parallel_loop3A_137 = arith.shrsi %parallel_loop3A_135, %parallel_loop3A_136 : i32
        %parallel_loop3A_138 = arith.constant 0 : i32
        %parallel_loop3A_139 = arith.addi %parallel_loop3A_138, %parallel_loop3A_137 : i32
        %parallel_loop3A_140 = arith.constant 7 : i32
        %parallel_loop3A_141 = arith.andi %parallel_loop3A_135, %parallel_loop3A_140 : i32
        %parallel_loop3A_142 = arith.constant 16 : i32
        %parallel_loop3A_143 = arith.muli %parallel_loop3A_141, %parallel_loop3A_142 : i32
        %parallel_loop3A_144 = arith.index_cast %parallel_loop3A_139 : i32 to index
        %parallel_loop3A_145 = arith.index_cast %parallel_loop3A_143 : i32 to index
        %parallel_loop3A_146 = tpu.vector_load %arg4[%parallel_loop3A_144, %parallel_loop3A_145] {strides = array<i32>} : memref<256x128xf32, #tpu.memory_space<vmem>>, vector<16xf32>,
        %parallel_loop3A_147 = tpu.bitcast %parallel_loop3A_146 : vector<16xf32> -> vector<16xi32>
        %parallel_loop3A_148 = arith.constant 0.000000e+00 : f32
        %parallel_loop3A_149 = vector.broadcast %parallel_loop3A_148 : f32 to vector<16xf32>
        %parallel_loop3A_150 = arith.cmpf olt, %parallel_loop3A_146, %parallel_loop3A_149 : vector<16xf32>
        %parallel_loop3A_151 = arith.constant dense<-1> : vector<16xi32>
        %parallel_loop3A_152 = arith.xori %parallel_loop3A_147, %parallel_loop3A_151 : vector<16xi32>
        %parallel_loop3A_153 = arith.constant -2147483648 : i32
        %parallel_loop3A_154 = vector.broadcast %parallel_loop3A_153 : i32 to vector<16xi32>
        %parallel_loop3A_155 = arith.xori %parallel_loop3A_147, %parallel_loop3A_154 : vector<16xi32>
        %parallel_loop3A_156 = arith.select %parallel_loop3A_150, %parallel_loop3A_152, %parallel_loop3A_155 : vector<16xi1>, vector<16xi32>
        %parallel_loop3A_157 = math.exp %parallel_loop3A_146 : vector<16xf32>
        %parallel_loop3A_158 = arith.constant 20 : i32
        %parallel_loop3A_159 = vector.broadcast %parallel_loop3A_158 : i32 to vector<16xi32>
        %parallel_loop3A_160 = arith.shrui %parallel_loop3A_156, %parallel_loop3A_159 : vector<16xi32>
        %parallel_loop3A_161 = vector.broadcast %parallel_loop3A_34#1 : i32 to vector<16xi32>
        %parallel_loop3A_162 = arith.cmpi eq, %parallel_loop3A_160, %parallel_loop3A_161 : vector<16xi32>
        %parallel_loop3A_163 = arith.constant 8 : i32
        %parallel_loop3A_164 = vector.broadcast %parallel_loop3A_163 : i32 to vector<16xi32>
        %parallel_loop3A_165 = arith.shrui %parallel_loop3A_156, %parallel_loop3A_164 : vector<16xi32>
        %parallel_loop3A_166 = arith.constant 4095 : i32
        %parallel_loop3A_167 = vector.broadcast %parallel_loop3A_166 : i32 to vector<16xi32>
        %parallel_loop3A_168 = arith.andi %parallel_loop3A_165, %parallel_loop3A_167 : vector<16xi32>
        %parallel_loop3A_169 = arith.constant 4 : i32
        %parallel_loop3A_170 = vector.broadcast %parallel_loop3A_169 : i32 to vector<16xi32>
        %parallel_loop3A_171 = arith.shli %parallel_loop3A_168, %parallel_loop3A_170 : vector<16xi32>
        %parallel_loop3A_172 = arith.addi %parallel_loop3A_171, %iota3A : vector<16xi32>
        tpu.vector_store_idx %arg5[%parallel_loop3A_172], %parallel_loop3A_157 masked %parallel_loop3A_162 {add = true} : memref<65536xf32, #tpu.memory_space<vmem>>[vector<16xi32>], vector<16xf32>, vector<16xi1>
      } {sc.loop_unroll_factor = 8 : i64, sc.parallel_access}
      %add3A_112 = arith.constant 1 : i32
      %add3A_113 = arith.addi %mul3A_79, %add3A_112 : i32
      %mul3A_114 = arith.constant 128 : i32
      %mul3A_115 = arith.muli %add3A_113, %mul3A_114 : i32
      %dma_wait3A_116 = arith.constant 128 : i32
      %dma_wait3A_117 = arith.constant 0 : i32
      %dma_wait3A_118 = tpu.memref_slice %arg4[%dma_wait3A_116, %dma_wait3A_117] : memref<256x128xf32, #tpu.memory_space<vmem>> -> memref<128x128xf32, #tpu.memory_space<vmem>>
      %dma_wait3A_119 = arith.constant 0 : i32
      %dma_wait3A_120 = tpu.memref_slice %arg2[%add3A, %mul3A_115, %dma_wait3A_119] : memref<32x8192x128xf32, #tpu.memory_space<hbm>> -> memref<1x128x128xf32, #tpu.memory_space<hbm>>
      %dma_wait3A_121 = tpu.memref_squeeze %dma_wait3A_120 : memref<1x128x128xf32, #tpu.memory_space<hbm>> -> memref<128x128xf32, #tpu.memory_space<hbm>>
      %dma_wait3A_122 = arith.constant 128 : i32
      %dma_wait3A_123 = arith.constant 0 : i32
      %dma_wait3A_124 = tpu.memref_slice %arg4[%dma_wait3A_122, %dma_wait3A_123] : memref<256x128xf32, #tpu.memory_space<vmem>> -> memref<128x128xf32, #tpu.memory_space<vmem>>
      %dma_wait3A_125 = arith.constant 0 : i32
      %dma_wait3A_126 = tpu.memref_slice %arg2[%add3A, %mul3A_115, %dma_wait3A_125] : memref<32x8192x128xf32, #tpu.memory_space<hbm>> -> memref<1x128x128xf32, #tpu.memory_space<hbm>>
      %dma_wait3A_127 = tpu.memref_squeeze %dma_wait3A_126 : memref<1x128x128xf32, #tpu.memory_space<hbm>> -> memref<128x128xf32, #tpu.memory_space<hbm>>
      tpu.wait_dma2 semaphore(%arg9 : memref<!tpu.dma_semaphore, #tpu.memory_space<semaphore_mem>>) src(%dma_wait3A_127 : memref<128x128xf32, #tpu.memory_space<hbm>>) dst(%dma_wait3A_124 : memref<128x128xf32, #tpu.memory_space<vmem>>)
      %add3A_128 = arith.constant 2 : i32
      %add3A_129 = arith.addi %mul3A_79, %add3A_128 : i32
      %lt3A = arith.constant 64 : i32
      %lt3A_130 = arith.cmpi slt, %add3A_129, %lt3A : i32
      %convert_element_type3A = arith.extui %lt3A_130 : i1 to i32
      %cond3A = arith.constant 0 : i32
      %cond3A_131 = arith.cmpi ne, %convert_element_type3A, %cond3A : i32
      scf.if %cond3A_131 {
        %add3A_135 = arith.constant 2 : i32
        %add3A_136 = arith.addi %mul3A_79, %add3A_135 : i32
        %mul3A_137 = arith.constant 128 : i32
        %mul3A_138 = arith.muli %add3A_136, %mul3A_137 : i32
        %dma_start3A_139 = arith.constant 0 : i32
        %dma_start3A_140 = arith.constant 0 : i32
        %dma_start3A_141 = tpu.memref_slice %arg4[%dma_start3A_139, %dma_start3A_140] : memref<256x128xf32, #tpu.memory_space<vmem>> -> memref<128x128xf32, #tpu.memory_space<vmem>>
        %dma_start3A_142 = arith.constant 0 : i32
        %dma_start3A_143 = tpu.memref_slice %arg2[%add3A, %mul3A_138, %dma_start3A_142] : memref<32x8192x128xf32, #tpu.memory_space<hbm>> -> memref<1x128x128xf32, #tpu.memory_space<hbm>>
        %dma_start3A_144 = tpu.memref_squeeze %dma_start3A_143 : memref<1x128x128xf32, #tpu.memory_space<hbm>> -> memref<128x128xf32, #tpu.memory_space<hbm>>
        %dma_start3A_145 = arith.constant 0 : i32
        %dma_start3A_146 = arith.constant 0 : i32
        %dma_start3A_147 = tpu.memref_slice %arg4[%dma_start3A_145, %dma_start3A_146] : memref<256x128xf32, #tpu.memory_space<vmem>> -> memref<128x128xf32, #tpu.memory_space<vmem>>
        %dma_start3A_148 = arith.constant 0 : i32
        %dma_start3A_149 = tpu.memref_slice %arg2[%add3A, %mul3A_138, %dma_start3A_148] : memref<32x8192x128xf32, #tpu.memory_space<hbm>> -> memref<1x128x128xf32, #tpu.memory_space<hbm>>
        %dma_start3A_150 = tpu.memref_squeeze %dma_start3A_149 : memref<1x128x128xf32, #tpu.memory_space<hbm>> -> memref<128x128xf32, #tpu.memory_space<hbm>>
        tpu.enqueue_dma source(%dma_start3A_150 : memref<128x128xf32, #tpu.memory_space<hbm>>) target(%dma_start3A_147 : memref<128x128xf32, #tpu.memory_space<vmem>>) target_semaphore(%arg8 : memref<!tpu.dma_semaphore, #tpu.memory_space<semaphore_mem>>)
      } else {
      }
      %parallel_loop3A_132 = arith.constant 0 : i32
      %parallel_loop3A_133 = arith.constant 1024 : i32
      %parallel_loop3A_134 = arith.constant 1 : i32
      scf.for %parallel_loop3A_135 = %parallel_loop3A_132 to %parallel_loop3A_133 step %parallel_loop3A_134  : i32 {
        %parallel_loop3A_136 = arith.constant 3 : i32
        %parallel_loop3A_137 = arith.shrsi %parallel_loop3A_135, %parallel_loop3A_136 : i32
        %parallel_loop3A_138 = arith.constant 128 : i32
        %parallel_loop3A_139 = arith.addi %parallel_loop3A_138, %parallel_loop3A_137 : i32
        %parallel_loop3A_140 = arith.constant 7 : i32
        %parallel_loop3A_141 = arith.andi %parallel_loop3A_135, %parallel_loop3A_140 : i32
        %parallel_loop3A_142 = arith.constant 16 : i32
        %parallel_loop3A_143 = arith.muli %parallel_loop3A_141, %parallel_loop3A_142 : i32
        %parallel_loop3A_144 = arith.index_cast %parallel_loop3A_139 : i32 to index
        %parallel_loop3A_145 = arith.index_cast %parallel_loop3A_143 : i32 to index
        %parallel_loop3A_146 = tpu.vector_load %arg4[%parallel_loop3A_144, %parallel_loop3A_145] {strides = array<i32>} : memref<256x128xf32, #tpu.memory_space<vmem>>, vector<16xf32>,
        %parallel_loop3A_147 = tpu.bitcast %parallel_loop3A_146 : vector<16xf32> -> vector<16xi32>
        %parallel_loop3A_148 = arith.constant 0.000000e+00 : f32
        %parallel_loop3A_149 = vector.broadcast %parallel_loop3A_148 : f32 to vector<16xf32>
        %parallel_loop3A_150 = arith.cmpf olt, %parallel_loop3A_146, %parallel_loop3A_149 : vector<16xf32>
        %parallel_loop3A_151 = arith.constant dense<-1> : vector<16xi32>
        %parallel_loop3A_152 = arith.xori %parallel_loop3A_147, %parallel_loop3A_151 : vector<16xi32>
        %parallel_loop3A_153 = arith.constant -2147483648 : i32
        %parallel_loop3A_154 = vector.broadcast %parallel_loop3A_153 : i32 to vector<16xi32>
        %parallel_loop3A_155 = arith.xori %parallel_loop3A_147, %parallel_loop3A_154 : vector<16xi32>
        %parallel_loop3A_156 = arith.select %parallel_loop3A_150, %parallel_loop3A_152, %parallel_loop3A_155 : vector<16xi1>, vector<16xi32>
        %parallel_loop3A_157 = math.exp %parallel_loop3A_146 : vector<16xf32>
        %parallel_loop3A_158 = arith.constant 20 : i32
        %parallel_loop3A_159 = vector.broadcast %parallel_loop3A_158 : i32 to vector<16xi32>
        %parallel_loop3A_160 = arith.shrui %parallel_loop3A_156, %parallel_loop3A_159 : vector<16xi32>
        %parallel_loop3A_161 = vector.broadcast %parallel_loop3A_34#1 : i32 to vector<16xi32>
        %parallel_loop3A_162 = arith.cmpi eq, %parallel_loop3A_160, %parallel_loop3A_161 : vector<16xi32>
        %parallel_loop3A_163 = arith.constant 8 : i32
        %parallel_loop3A_164 = vector.broadcast %parallel_loop3A_163 : i32 to vector<16xi32>
        %parallel_loop3A_165 = arith.shrui %parallel_loop3A_156, %parallel_loop3A_164 : vector<16xi32>
        %parallel_loop3A_166 = arith.constant 4095 : i32
        %parallel_loop3A_167 = vector.broadcast %parallel_loop3A_166 : i32 to vector<16xi32>
        %parallel_loop3A_168 = arith.andi %parallel_loop3A_165, %parallel_loop3A_167 : vector<16xi32>
        %parallel_loop3A_169 = arith.constant 4 : i32
        %parallel_loop3A_170 = vector.broadcast %parallel_loop3A_169 : i32 to vector<16xi32>
        %parallel_loop3A_171 = arith.shli %parallel_loop3A_168, %parallel_loop3A_170 : vector<16xi32>
        %parallel_loop3A_172 = arith.addi %parallel_loop3A_171, %iota3A : vector<16xi32>
        tpu.vector_store_idx %arg5[%parallel_loop3A_172], %parallel_loop3A_157 masked %parallel_loop3A_162 {add = true} : memref<65536xf32, #tpu.memory_space<vmem>>[vector<16xi32>], vector<16xf32>, vector<16xi1>
      } {sc.loop_unroll_factor = 8 : i64, sc.parallel_access}
    }
    %scan3A_54 = arith.constant 32 : i32
    %parallel_loop3A_55 = arith.constant 0 : i32
    %parallel_loop3A_56 = arith.constant 4096 : i32
    %parallel_loop3A_57 = arith.constant 1 : i32
    %parallel_loop3A_58 = arith.constant -1 : i32
    %parallel_loop3A_59 = arith.constant 0.000000e+00 : f32
    %parallel_loop3A_60:4 = scf.for %parallel_loop3A_77 = %parallel_loop3A_55 to %parallel_loop3A_56 step %parallel_loop3A_57 iter_args(%parallel_loop3A_78 = %sub3A, %parallel_loop3A_79 = %parallel_loop3A_58, %parallel_loop3A_80 = %sub3A, %parallel_loop3A_81 = %parallel_loop3A_59) -> (f32, i32, f32, f32)  : i32 {
      %parallel_loop3A_82 = arith.constant 4095 : i32
      %parallel_loop3A_83 = arith.subi %parallel_loop3A_82, %parallel_loop3A_77 : i32
      %parallel_loop3A_84 = arith.constant 16 : i32
      %parallel_loop3A_85 = arith.muli %parallel_loop3A_83, %parallel_loop3A_84 : i32
      %parallel_loop3A_86 = arith.index_cast %parallel_loop3A_85 : i32 to index
      %parallel_loop3A_87 = tpu.vector_load %arg5[%parallel_loop3A_86] {strides = array<i32>} : memref<65536xf32, #tpu.memory_space<vmem>>, vector<16xf32>,
      %parallel_loop3A_88 = arith.constant true
      %parallel_loop3A_89 = vector.broadcast %parallel_loop3A_88 : i1 to vector<16xi1>
      %parallel_loop3A_90 = tpu.scan <sum>, %parallel_loop3A_87 masked %parallel_loop3A_89 : vector<16xf32>, vector<16xi1> -> vector<16xf32>
      %parallel_loop3A_91 = vector.extract %parallel_loop3A_90[15] : f32 from vector<16xf32>
      %parallel_loop3A_92 = arith.constant 16 : i32
      %parallel_loop3A_93 = arith.muli %parallel_loop3A_83, %parallel_loop3A_92 : i32
      %parallel_loop3A_94 = arith.index_cast %parallel_loop3A_93 : i32 to index
      %parallel_loop3A_95 = tpu.vector_load %arg5[%parallel_loop3A_94] {strides = array<i32>} : memref<65536xf32, #tpu.memory_space<vmem>>, vector<16xf32>,
      tpu.vector_store %arg5[%parallel_loop3A_94], %broadcast_in_dim3A_1 {strides = array<i32>} : memref<65536xf32, #tpu.memory_space<vmem>>, vector<16xf32>,
      %parallel_loop3A_96 = arith.addf %parallel_loop3A_78, %parallel_loop3A_91 : f32
      %parallel_loop3A_97 = arith.cmpf olt, %parallel_loop3A_78, %mul3A_26 : f32
      %parallel_loop3A_98 = arith.cmpf oge, %parallel_loop3A_96, %mul3A_26 : f32
      %parallel_loop3A_99 = arith.andi %parallel_loop3A_97, %parallel_loop3A_98 : i1
      %parallel_loop3A_100 = arith.select %parallel_loop3A_99, %parallel_loop3A_83, %parallel_loop3A_79 : i32
      %parallel_loop3A_101 = arith.select %parallel_loop3A_99, %parallel_loop3A_96, %parallel_loop3A_80 : f32
      %parallel_loop3A_102 = arith.select %parallel_loop3A_99, %parallel_loop3A_91, %parallel_loop3A_81 : f32
      scf.yield %parallel_loop3A_96, %parallel_loop3A_100, %parallel_loop3A_101, %parallel_loop3A_102 : f32, i32, f32, f32
    } {sc.loop_unroll_factor = 8 : i64, sc.parallel_access}
    %ge3A = arith.constant 0 : i32
    %ge3A_61 = arith.cmpi sge, %parallel_loop3A_60#1, %ge3A : i32
    %jit3A = arith.constant 0 : i32
    %select_n3A = arith.select %ge3A_61, %parallel_loop3A_60#1, %jit3A : i32
    %select_n3A_62 = arith.select %ge3A_61, %parallel_loop3A_60#2, %parallel_loop3A_60#0 : f32
    %shift_left3A = arith.constant 12 : i32
    %shift_left3A_63 = arith.shli %parallel_loop3A_34#1, %shift_left3A : i32
    %or3A = arith.ori %shift_left3A_63, %select_n3A : i32
    %shift_left3A_64 = arith.constant 8 : i32
    %shift_left3A_65 = arith.shli %or3A, %shift_left3A_64 : i32
    %broadcast_in_dim3A_66 = vector.broadcast %shift_left3A_65 : i32 to vector<16xi32>
    %swap3A = arith.constant 0 : index
    %swap3A_67 = tpu.vector_load %arg6[%swap3A] {strides = array<i32>} : memref<16xi32, #tpu.memory_space<vmem>>, vector<16xi32>,
    tpu.vector_store %arg6[%swap3A], %broadcast_in_dim3A_66 {strides = array<i32>} : memref<16xi32, #tpu.memory_space<vmem>>, vector<16xi32>,
    %broadcast_in_dim3A_68 = vector.broadcast %select_n3A_62 : f32 to vector<16xf32>
    %bitcast_convert_type3A = tpu.bitcast %broadcast_in_dim3A_68 : vector<16xf32> -> vector<16xi32>
    %swap3A_69 = arith.constant 0 : index
    %swap3A_70 = tpu.vector_load %arg7[%swap3A_69] {strides = array<i32>} : memref<16xi32, #tpu.memory_space<vmem>>, vector<16xi32>,
    tpu.vector_store %arg7[%swap3A_69], %bitcast_convert_type3A {strides = array<i32>} : memref<16xi32, #tpu.memory_space<vmem>>, vector<16xi32>,
    %mul3A_71 = arith.constant 32 : i32
    %mul3A_72 = arith.muli %add3A, %mul3A_71 : i32
    "tpu.region"() ({
      %run_scoped3A = tpu.sem_alloc : memref<!tpu.dma_semaphore, #tpu.memory_space<semaphore_mem>>
      %dma_start3A_77 = tpu.memref_slice %arg3[%mul3A_72] : memref<1024xi32, #tpu.memory_space<hbm>> -> memref<16xi32, #tpu.memory_space<hbm>>
      %dma_start3A_78 = tpu.memref_slice %arg3[%mul3A_72] : memref<1024xi32, #tpu.memory_space<hbm>> -> memref<16xi32, #tpu.memory_space<hbm>>
      tpu.enqueue_dma source(%arg6 : memref<16xi32, #tpu.memory_space<vmem>>) target(%dma_start3A_78 : memref<16xi32, #tpu.memory_space<hbm>>) target_semaphore(%run_scoped3A : memref<!tpu.dma_semaphore, #tpu.memory_space<semaphore_mem>>)
      %dma_wait3A = tpu.memref_slice %arg3[%mul3A_72] : memref<1024xi32, #tpu.memory_space<hbm>> -> memref<16xi32, #tpu.memory_space<hbm>>
      %dma_wait3A_79 = tpu.memref_slice %arg3[%mul3A_72] : memref<1024xi32, #tpu.memory_space<hbm>> -> memref<16xi32, #tpu.memory_space<hbm>>
      tpu.wait_dma2 semaphore(%run_scoped3A : memref<!tpu.dma_semaphore, #tpu.memory_space<semaphore_mem>>) src(%arg6 : memref<16xi32, #tpu.memory_space<vmem>>) dst(%dma_wait3A_79 : memref<16xi32, #tpu.memory_space<hbm>>)
      tpu.yield
    }) : () -> ()
    %mul3A_73 = arith.constant 32 : i32
    %mul3A_74 = arith.muli %add3A, %mul3A_73 : i32
    %add3A_75 = arith.constant 16 : i32
    %add3A_76 = arith.addi %mul3A_74, %add3A_75 : i32
    "tpu.region"() ({
      %run_scoped3A = tpu.sem_alloc : memref<!tpu.dma_semaphore, #tpu.memory_space<semaphore_mem>>
      %dma_start3A_77 = tpu.memref_slice %arg3[%add3A_76] : memref<1024xi32, #tpu.memory_space<hbm>> -> memref<16xi32, #tpu.memory_space<hbm>>
      %dma_start3A_78 = tpu.memref_slice %arg3[%add3A_76] : memref<1024xi32, #tpu.memory_space<hbm>> -> memref<16xi32, #tpu.memory_space<hbm>>
      tpu.enqueue_dma source(%arg7 : memref<16xi32, #tpu.memory_space<vmem>>) target(%dma_start3A_78 : memref<16xi32, #tpu.memory_space<hbm>>) target_semaphore(%run_scoped3A : memref<!tpu.dma_semaphore, #tpu.memory_space<semaphore_mem>>)
      %dma_wait3A = tpu.memref_slice %arg3[%add3A_76] : memref<1024xi32, #tpu.memory_space<hbm>> -> memref<16xi32, #tpu.memory_space<hbm>>
      %dma_wait3A_79 = tpu.memref_slice %arg3[%add3A_76] : memref<1024xi32, #tpu.memory_space<hbm>> -> memref<16xi32, #tpu.memory_space<hbm>>
      tpu.wait_dma2 semaphore(%run_scoped3A : memref<!tpu.dma_semaphore, #tpu.memory_space<semaphore_mem>>) src(%arg7 : memref<16xi32, #tpu.memory_space<vmem>>) dst(%dma_wait3A_79 : memref<16xi32, #tpu.memory_space<hbm>>)
      tpu.yield
    }) : () -> ()
    return
  }
}

module attributes {stable_mosaic.version = 14 : i64} {
  func.func @_finalize_kernel(%arg0: i32, %arg1: memref<1x8192x128xf32, #tpu.memory_space<vmem>>, %arg2: memref<1x1x16xi32, #tpu.memory_space<vmem>>, %arg3: memref<1x1x16xf32, #tpu.memory_space<vmem>>, %arg4: memref<1x8192x128xf32, #tpu.memory_space<vmem>>) attributes {dimension_semantics = [#tpu.dimension_semantics<arbitrary>], iteration_bounds = array<i64: 32>, scalar_prefetch = 0 : i64, scratch_operands = 0 : i64, tpu.core_type = #tpu.core_type<tc>, window_params = [{transform_indices = @transform_0, window_bounds = array<i64: 1, 8192, 128>}, {transform_indices = @transform_1, window_bounds = array<i64: 1, 1, 16>}, {transform_indices = @transform_2, window_bounds = array<i64: 1, 1, 16>}, {transform_indices = @transform_3, window_bounds = array<i64: 1, 8192, 128>}]} {
    %get3A = arith.constant 0 : index
    %get3A_0 = arith.constant 0 : index
    %get3A_1 = arith.constant 0 : index
    %get3A_2 = vector.load %arg1[%get3A, %get3A_0, %get3A_1] : memref<1x8192x128xf32, #tpu.memory_space<vmem>>, vector<1x8192x128xf32>
    %get3A_3 = vector.shape_cast %get3A_2 : vector<1x8192x128xf32> to vector<8192x128xf32>
    %get3A_4 = arith.constant 0 : index
    %get3A_5 = arith.constant 0 : index
    %get3A_6 = arith.constant 0 : index
    %get3A_7 = vector.load %arg2[%get3A_4, %get3A_5, %get3A_6] : memref<1x1x16xi32, #tpu.memory_space<vmem>>, vector<1x1x1xi32>
    %get3A_8 = vector.extract %get3A_7[0, 0, 0] : i32 from vector<1x1x1xi32>
    %get3A_9 = arith.constant 0 : index
    %get3A_10 = arith.constant 0 : index
    %get3A_11 = arith.constant 0 : index
    %get3A_12 = vector.load %arg3[%get3A_9, %get3A_10, %get3A_11] : memref<1x1x16xf32, #tpu.memory_space<vmem>>, vector<1x1x1xf32>
    %get3A_13 = vector.extract %get3A_12[0, 0, 0] : f32 from vector<1x1x1xf32>
    %log3A = math.log %get3A_13 : f32
    %bitcast_convert_type3A = tpu.bitcast %get3A_3 : vector<8192x128xf32> -> vector<8192x128xi32>
    %lt3A = arith.constant 0.000000e+00 : f32
    %lt3A_14 = vector.broadcast %lt3A : f32 to vector<8192x128xf32>
    %lt3A_15 = arith.cmpf olt, %get3A_3, %lt3A_14 : vector<8192x128xf32>
    %not3A = arith.constant dense<-1> : vector<8192x128xi32>
    %not3A_16 = arith.xori %bitcast_convert_type3A, %not3A : vector<8192x128xi32>
    %xor3A = arith.constant -2147483648 : i32
    %xor3A_17 = vector.broadcast %xor3A : i32 to vector<8192x128xi32>
    %xor3A_18 = arith.xori %bitcast_convert_type3A, %xor3A_17 : vector<8192x128xi32>
    %select_n3A = arith.select %lt3A_15, %not3A_16, %xor3A_18 : vector<8192x128xi1>, vector<8192x128xi32>
    %ge3A = vector.broadcast %get3A_8 : i32 to vector<8192x128xi32>
    %ge3A_19 = arith.cmpi uge, %select_n3A, %ge3A : vector<8192x128xi32>
    %sub3A = vector.broadcast %log3A : f32 to vector<8192x128xf32>
    %sub3A_20 = arith.subf %get3A_3, %sub3A : vector<8192x128xf32>
    %jit3A = arith.constant 0xFF800000 : f32
    %broadcast_in_dim3A = vector.broadcast %jit3A : f32 to vector<8192x128xf32>
    %select_n3A_21 = arith.select %ge3A_19, %sub3A_20, %broadcast_in_dim3A : vector<8192x128xi1>, vector<8192x128xf32>
    %swap3A = arith.constant 0 : index
    %swap3A_22 = arith.constant 0 : index
    %swap3A_23 = arith.constant 0 : index
    %swap3A_24 = vector.load %arg4[%swap3A, %swap3A_22, %swap3A_23] : memref<1x8192x128xf32, #tpu.memory_space<vmem>>, vector<1x8192x128xf32>
    %swap3A_25 = vector.shape_cast %swap3A_24 : vector<1x8192x128xf32> to vector<8192x128xf32>
    %swap3A_26 = vector.shape_cast %select_n3A_21 : vector<8192x128xf32> to vector<1x8192x128xf32>
    tpu.vector_store %arg4[%swap3A, %swap3A_22, %swap3A_23], %swap3A_26 {strides = array<i32>} : memref<1x8192x128xf32, #tpu.memory_space<vmem>>, vector<1x8192x128xf32>,
    return
  }
  func.func @transform_0(%arg0: i32) -> (i32, i32, i32) {
    %c0_i32 = arith.constant 0 : i32
    %c0_i32_0 = arith.constant 0 : i32
    %c0_i32_1 = arith.constant 0 : i32
    return %arg0, %c0_i32, %c0_i32_0 : i32, i32, i32
  }
  func.func @transform_1(%arg0: i32) -> (i32, i32, i32) {
    %c0_i32 = arith.constant 0 : i32
    %c0_i32_0 = arith.constant 0 : i32
    %c0_i32_1 = arith.constant 0 : i32
    return %arg0, %c0_i32, %c0_i32_0 : i32, i32, i32
  }
  func.func @transform_2(%arg0: i32) -> (i32, i32, i32) {
    %c0_i32 = arith.constant 0 : i32
    %c0_i32_0 = arith.constant 0 : i32
    %c0_i32_1 = arith.constant 0 : i32
    return %arg0, %c0_i32, %c0_i32_0 : i32, i32, i32
  }
  func.func @transform_3(%arg0: i32) -> (i32, i32, i32) {
    %c0_i32 = arith.constant 0 : i32
    %c0_i32_0 = arith.constant 0 : i32
    %c0_i32_1 = arith.constant 0 : i32
    return %arg0, %c0_i32, %c0_i32_0 : i32, i32, i32
  }
}

</mosaic_0001>

<sc_bundles>
// kernel: kernel.4.cloned.1.call-start
scs
__scs_entry_jumppad:
0x0: {  	(pc) =	sbr.rel $0x88, $3  }
0x1: {  	(tag) =	ssettag $0x0;
	lr =	simm.s32 $0x1  }
0x2: {  	[smem:$0x3FA0] =	sst lr;
	_ =	strace $0xD0000000  }
0x3: {  	_ = 	snop  }
0x4: {  	_ = 	snop  }
0x5: {  	_ = 	snop  }
0x6: {  	_ = 	snop  }
0x7: {  	_ = 	snop  }
__scs_overlays_trampoline_lowered:
0x8: {  	[smem:$0x3FAF] =	sst s0  }
0x9: {  	[smem:$0x3FB0] =	sst s1  }
0xa: {  	[smem:$0x3FB1] =	sst s2  }
0xb: {  	[smem:$0x3FB2] =	sst s3  }
0xc: {  	[smem:$0x3FB3] =	sst s4  }
0xd: {  	[smem:$0x3FB4] =	sst s5  }
0xe: {  	[smem:$0x3FB5] =	sst s6  }
0xf: {  	[smem:$0x3FB6] =	sst s7  }
0x10: {  	[smem:$0x3FB7] =	sst s8  }
0x11: {  	[smem:$0x3FB8] =	sst s9;
	s0 =	simm.s32 @!p0 $0x0  }
0x12: {  	s1 =	sld [smem:$0x3F9E];
	s0 =	simm.s32 @p0 $0x1  }
0x13: {  	[smem:$0x3FB9] =	sst s0;
	s0 =	simm.s32 @!p1 $0x0  }
0x14: {  	s2 =	sld [smem:$0x3F9D];
	s0 =	simm.s32 @p1 $0x1  }
0x15: {  	[smem:$0x3FBA] =	sst s0;
	s0 =	simm.s32 @!p2 $0x0  }
0x16: {  	s3 =	sld [smem:$0x3FDB];
	s0 =	simm.s32 @p2 $0x1  }
0x17: {  	s4 =	simm.s32 $0x1BF5;
	[smem:$0x3FBC] =	sst s0  }
0x18: {  	s0 =	sld [smem:$0x3F9F];
	_ =	swait.ge [sflag:s4], $0x0  }
0x19: {  	s7 =	sld [smem:$0x3FA0]  }
0x1a: {  	s8 =	sadd.s32 $0xFFFFE003, lr  }
0x1b: {  	s9 =	sadd.s32 $0xFFFFFEF7, lr;
	s5 =	simm.s32 $0xFFFFFFFF;
	p2 =	slt.u32 s8, $0xFFFFF086  }
0x1c: {  	p1 =	slt.u32 s9, $0xF7A;
	s5 =	simm.s32 @!p2 $0x0  }
0x1d: {  	s5 =	simm.s32 @p1 $0x1;
	p0 =	seq.s32 s7, s2  }
0x1e: {  	s7 =	smul.u32 @!p0 $0xF7A, s2;
	p2 =	seq.s32 @!p0 s5, $0x0  }
0x1f: {  	s9 =	smul.u32 $0xF7A, s1;
	s8 =	simm.s32 @!p0 $0x1BF5;
	p2 =	por !p2, p0  }
0x20: {  	[sflag:s8] =	ssyncset.s32 @!p0 $0xFFFFF086;
	s6 =	sadd.s32 @!p0 s3, s7;
	s7 =	simm.s32 @!p0 $0x108  }
0x21: {  	s3 =	sadd.s32 s3, s9;
	s6 =	sadd.s32 @!p0 $0x88, s6;
	s7 =	simm.s32 @p2 $0x1082  }
0x22: {  	[simem:s7], [sflag:s8] =	dma.local @!p0 [hbm:s6], $0xF7A  }
0x23: {  	s9 =	sor.u32 $0xD0000000, s2;
	s6 =	simm.s32 $0x108;
	_ =	swait.ge @!p0 [sflag:s8], $0x0  }
0x24: {  	s3 =	sadd.s32 $0x88, s3;
	s6 =	simm.s32 @!p1 $0x1082;
	[sflag:s4] =	ssyncset.s32 $0xFFFFF086  }
0x25: {  	[simem:s6], [sflag:s4] =	dma.local [hbm:s3], $0xF7A  }
0x26: {  	[smem:$0x3FA0] =	sst s1;
	(tag) =	ssettag s2;
	_ =	strace s9  }
0x27: {  	s1 =	sld [smem:$0x3FB0]  }
0x28: {  	s2 =	sld [smem:$0x3FB1]  }
0x29: {  	s4 =	sld [smem:$0x3FB3]  }
0x2a: {  	p0 =	seq.s32 s5, $0x0;
	s5 =	sld [smem:$0x3FB4]  }
0x2b: {  	s6 =	sld [smem:$0x3FB5]  }
0x2c: {  	s7 =	sld [smem:$0x3FB6]  }
0x2d: {  	s3 =	simm.s32 $0x108;
	s8 =	sld [smem:$0x3FB7]  }
0x2e: {  	s3 =	simm.s32 @!p0 $0x1082;
	s9 =	sld [smem:$0x3FB8]  }
0x2f: {  	lr =	sadd.s32 s0, s3;
	s0 =	sld [smem:$0x3FAF]  }
0x30: {  	s3 =	sld [smem:$0x3FB2]  }
0x31: {  	[smem:$0x3FBB] =	sst s10  }
0x32: {  	s10 =	sld [smem:$0x3FB9];
	_ =	sdelay $0x3  }
0x33: {  	p0 =	seq.s32 s10, $0x1;
	s10 =	sld [smem:$0x3FBB];
	_ =	sdelay $0x3  }
0x34: {  	[smem:$0x3FBB] =	sst s10  }
0x35: {  	s10 =	sld [smem:$0x3FBA];
	_ =	sdelay $0x3  }
0x36: {  	p1 =	seq.s32 s10, $0x1;
	s10 =	sld [smem:$0x3FBB];
	_ =	sdelay $0x3  }
0x37: {  	[smem:$0x3FBB] =	sst s10  }
0x38: {  	s10 =	sld [smem:$0x3FBC]  }
0x39: {  	_ = 	snop;
	(pc) =	sbr.ind lr, $3  }
0x3a: {  	_ = 	snop  }
0x3b: {  	_ = 	snop  }
0x3c: {  	p2 =	seq.s32 s10, $0x1;
	s10 =	sld [smem:$0x3FBB]  }
0x3d: {  	_ =	shalt  }
0x3e: {  	_ =	shalt  }
0x3f: {  	_ =	shalt  }
0x40: {  	_ =	shalt  }
0x41: {  	_ =	shalt  }
0x42: {  	_ =	shalt  }
0x43: {  	_ =	shalt  }
0x44: {  	_ =	shalt  }
0x45: {  	_ =	shalt  }
0x46: {  	_ =	shalt  }
0x47: {  	_ =	shalt  }
0x48: {  	_ =	shalt  }
0x49: {  	_ =	shalt  }
0x4a: {  	_ =	shalt  }
0x4b: {  	_ =	shalt  }
0x4c: {  	_ =	shalt  }
0x4d: {  	_ =	shalt  }
0x4e: {  	_ =	shalt  }
0x4f: {  	_ =	shalt  }
0x50: {  	_ =	shalt  }
0x51: {  	_ =	shalt  }
0x52: {  	_ =	shalt  }
0x53: {  	_ =	shalt  }
0x54: {  	_ =	shalt  }
0x55: {  	_ =	shalt  }
0x56: {  	_ =	shalt  }
0x57: {  	_ =	shalt  }
0x58: {  	_ =	shalt  }
0x59: {  	_ =	shalt  }
0x5a: {  	_ =	shalt  }
0x5b: {  	_ =	shalt  }
0x5c: {  	_ =	shalt  }
0x5d: {  	_ =	shalt  }
0x5e: {  	_ =	shalt  }
0x5f: {  	_ =	shalt  }
0x60: {  	_ =	shalt  }
0x61: {  	_ =	shalt  }
0x62: {  	_ =	shalt  }
0x63: {  	_ =	shalt  }
0x64: {  	_ =	shalt  }
0x65: {  	_ =	shalt  }
0x66: {  	_ =	shalt  }
0x67: {  	_ =	shalt  }
0x68: {  	_ =	shalt  }
0x69: {  	_ =	shalt  }
0x6a: {  	_ =	shalt  }
0x6b: {  	_ =	shalt  }
0x6c: {  	_ =	shalt  }
0x6d: {  	_ =	shalt  }
0x6e: {  	_ =	shalt  }
0x6f: {  	_ =	shalt  }
0x70: {  	_ =	shalt  }
0x71: {  	_ =	shalt  }
0x72: {  	_ =	shalt  }
0x73: {  	_ =	shalt  }
0x74: {  	_ =	shalt  }
0x75: {  	_ =	shalt  }
0x76: {  	_ =	shalt  }
0x77: {  	_ =	shalt  }
0x78: {  	_ =	shalt  }
0x79: {  	_ =	shalt  }
0x7a: {  	_ =	shalt  }
0x7b: {  	_ =	shalt  }
0x7c: {  	_ =	shalt  }
0x7d: {  	_ =	shalt  }
0x7e: {  	_ =	shalt  }
0x7f: {  	_ =	shalt  }
0x80: {  	_ =	shalt  }
0x81: {  	_ =	shalt  }
0x82: {  	_ =	shalt  }
0x83: {  	_ =	shalt  }
0x84: {  	_ =	shalt  }
0x85: {  	_ =	shalt  }
0x86: {  	_ =	shalt  }
0x87: {  	_ =	shalt  }
.Lfunc_end0:
.L_simem_size_0:
called_computation.2_lowered:
.L_overlay_start_0:
0x88: {  	s2 =	sld [smem:$0x3FD9]  }
0x89: {  	s3 =	sld [smem:$0x3FFE];
	_ =	sdelay $0x1  }
0x8a: {  	s1 =	srdreg.scid  }
0x8b: {  	s0 =	sand.u32 $0x1, s1  }
0x8c: {  	s17 =	sshll.u32 s0, $0xA;
	s2 =	sadd.s32 s3, s2  }
0x8d: {  	s2 =	sadd.s32 s2, s17  }
0x8e: {  	[smem:$0x3FC7] =	sst s2  }
0x8f: {  	_ = 	snop  }
0x90: {  	s2 =	sld [smem:$0x3FD0];
	(tm) =	ssettm $0x1  }
0x91: {  	s18 =	sld [smem:$0x3FFB];
	_ =	sdelay $0x3  }
0x92: {  	_ =	strace s18  }
0x93: {  	s3 =	sld [smem:$0x3FFC];
	_ =	sdelay $0x3  }
0x94: {  	_ =	strace s3  }
0x95: {  	s3 =	sld [smem:$0x3FFD];
	_ =	sdelay $0x3  }
0x96: {  	_ =	strace s3  }
0x97: {  	_ =	strace $0x8FFFFFFF  }
0x98: {  	s19 =	sld [smem:$0x3FDB];
	_ =	sdelay $0x1  }
0x99: {  	s4 =	simm.s32 $_scs_section_size  }
0x9a: {  	s5 =	simm.s32 $_size__tile_overlayer_lowered;
	s6 =	simm.s32 $_tile_overlayer_lowered  }
0x9b: {  	s22 =	simm.s32 $0x1BFF;
	s21 =	sshll.u32 s6, $0x1;
	s3 =	sadd.s32 s4, s19  }
0x9c: {  	s7 =	simm.s32 $0x0;
	s20 =	sshll.u32 s5, $0x1;
	s5 =	sadd.s32 s21, s3  }
0x9d: {  	[timem:s7], [sflag:s22] =	dma.local [hbm:s5], s20  }
0x9e: {  	_ =	swait.ge [sflag:s22], s20  }
0x9f: {  	s4 =	ssub.s32 $0x0, s20;
	[sflag:s22] =	ssyncset.done $0x0  }
0xa0: {  	[sflag:s22] =	ssyncadd.s32 s4;
	_ =	sdelay $0x1  }
0xa1: {  	s23 =	simm.s32 $0x1B8B  }
0xa2: {  	_ =	swait.ge [sflag:s23], $0x1  }
0xa3: {  	[sflag:s23] =	ssyncset.done $0x0  }
0xa4: {  	s25 =	simm.s32 $0x1B8E;
	s24 =	sld [smem:$0x3FFE];
	[sflag:s23] =	ssyncadd.s32 $0xFFFFFFFF  }
0xa5: {  	s26 =	simm.s32 $execute0_lowered;
	[smem:$0x3FD2] =	sst s25  }
0xa6: {  	s5 =	sshll.u32 s26, $0x1;
	_ =	strace $0x80000049;
	[dreg:$0x1] =	wrdreg $0xFFFFFFFF  }
0xa7: {  	s28 =	simm.s32 $_size_execute0_lowered;
	s3 =	sadd.s32 s3, s5;
	[dreg:$0x0] =	wrdreg $0x0  }
0xa8: {  	s5 =	sshll.u32 s28, $0x1;
	[dreg:$0x2] =	wrdreg s3  }
0xa9: {  	[dreg:$0x3] =	wrdreg s5  }
0xaa: {  	[dreg:$0x4] =	wrdreg $0xC0  }
0xab: {  	_ =	task [dreg:s7], $0x5FFFF  }
0xac: {  	[dreg:$0x1] =	wrdreg $0xFFFFFFFF  }
0xad: {  	[dreg:$0x0] =	wrdreg $0x60  }
0xae: {  	[dreg:$0x2] =	wrdreg s24  }
0xaf: {  	[dreg:$0x3] =	wrdreg s2  }
0xb0: {  	[dreg:$0x4] =	wrdreg $0x9  }
0xb1: {  	_ =	task.clear_ibuf [dreg:s7], $0x5FFFF;
	_ =	strace $0x90000049  }
0xb2: {  	s29 =	simm.s32 $0x9;
	_ =	strace $0x8000004B  }
0xb3: {  	_ =	swait.ge [sflag:s29], $0x1  }
0xb4: {  	[sflag:s29] =	ssyncadd.s32 $0xFFFFFFFF  }
0xb5: {  	_ =	strace $0x9000004B  }
0xb6: {  	_ =	sfence  }
0xb7: {  	s30 =	sld [smem:$0x0];
	_ =	sdelay $0x2  }
0xb8: {  	s31 =	sshll.u32 s1, $0xD;
	s1 =	sshrl.u32 s1, $0x2  }
0xb9: {  	s3 =	sand.u32 $0x4000, s31;
	s1 =	sadd.s32 s1, s30  }
0xba: {  	s0 =	sor.u32 s3, s0;
	s1 =	sshll.u32 s1, $0x11  }
0xbb: {  	s0 =	sor.u32 s1, s0  }
0xbc: {  	s0 =	sadd.s32 $0x8F2B, s0  }
0xbd: {  	[sflag:s0] =	ssyncadd.remote.s32 $0x1  }
0xbe: {  	_ =	sfence.sel $0xFFFF  }
0xbf: {  	[dreg:$0x0] =	wrdreg $0xFFFFFFFF;
	(pc) =	sbr.abs _section_cstart, $3  }
0xc0: {  	[dreg:$0x1] =	wrdreg $0xFFFFFFFF  }
0xc1: {  	_ =	task.clear_ibuf [dreg:s7], $0x2FFFF;
	_ =	strace $0x9FFFFFFF  }
0xc2: {  	(tm) =	ssettm $0x7FFFFFFF  }
0xc3: {  	_ =	shalt  }
tec
execute0_lowered:
.L_overlay_start_1:
0x0: {  	(tag) =	ssettag $0x1  }
0x1: {  	s0 =	rddreg [dreg:$0x0]  }
0x2: {  	s1 =	rddreg [dreg:$0x1];
	s2 =	simm.s32 $0x0;
	s3 =	srdreg.scid  }
0x3: {  	s6 =	stileid.u32;
	s10 =	simm.s32 $0x1;
	s3 =	sand.u32 $0x1, s3  }
0x4: {  	[smem:$0x7FF] =	sst s2;
	s4 =	ssub.s32 $0x2, s3;
	s3 =	sshll.u32 s3, $0x4  }
0x5: {  	s11 =	simm.s32 $0x4000;
	_ =	strace $0x8000004A;
	s6 =	sor.u32 s6, s3  }
0x6: {  	s5 =	sshrl.u32 s4, $0x1;
	s3 =	sadd.s32 $0x400C00, s0;
	s31 =	sshll.u32 s6, $0x2  }
0x7: {  	s30 =	ssub.s32 s4, s5;
	s4 =	sshll.u32 s6, $0x14;
	s1 =	sadd.s32 s1, s31  }
0x8: {  	s6 =	sshll.u32 s6, $0x11;
	s0 =	smax.u32 s30, $0x1;
	[dreg:$0x3] =	wrdreg s1  }
0x9: {  	s12 =	simm.s32 $0x8000;
	s28 =	sadd.s32 s3, s6;
	[dreg:$0x6] =	wrdreg s0  }
0xa: {  	s13 =	simm.s32 $0x2;
	s1 =	sadd.s32 $0x2, s1;
	[dreg:$0x4] =	wrdreg s28  }
0xb: {  	v0 =	vimm.f32 $0.0e+00;
	v1 =	vlaneseq.u32;
	s5 =	simm.s32 $0x0;
	s7 =	sor.u32 $0x8000, s4;
	[dreg:$0x5] =	wrdreg s1  }
.LBB2_1:
0xc: {  	s0 =	simm.s32 $0x8040  }
0xd: {  	[tilespmem:s0+$0xFFFFFFC0] =	vst v0  }
0xe: {  	[tilespmem:s0+$0x30] =	vst v0  }
0xf: {  	[tilespmem:s0+$0x20] =	vst v0  }
0x10: {  	[tilespmem:s0+$0x10] =	vst v0  }
0x11: {  	[tilespmem:s0+$0x0] =	vst v0  }
0x12: {  	[tilespmem:s0+$0xFFFFFFF0] =	vst v0  }
0x13: {  	s1 =	simm.s32 $0x0;
	[tilespmem:s0+$0xFFFFFFE0] =	vst v0  }
.LBB2_2:
0x14: {  	s1 =	sadd.s32 $0x8, s1;
	[tilespmem:s0+$0xFFFFFFD0] =	vst v0;
	s0 =	sadd.s32 $0x80, s0  }
0x15: {  	[tilespmem:s0+$0xFFFFFFC0] =	vst v0;
	p0 =	slt.u32 s1, $0xFF8  }
0x16: {  	[tilespmem:s0+$0x30] =	vst v0  }
.Ltmp0:
0x17: {  	[tilespmem:s0+$0x20] =	vst v0;
	(pc) =	sbr.rel @p0 .LBB2_2-.Ltmp0, $4  }
0x18: {  	[tilespmem:s0+$0x10] =	vst v0  }
0x19: {  	[tilespmem:s0+$0x0] =	vst v0  }
0x1a: {  	[tilespmem:s0+$0xFFFFFFF0] =	vst v0  }
0x1b: {  	[tilespmem:s0+$0xFFFFFFE0] =	vst v0  }
0x1c: {  	[tilespmem:s0+$0xFFFFFFD0] =	vst v0;
	s18 =	simm.s32 $0x0  }
0x1d: {  	v3 =	vimm.f32 $0.0e+00;
	[tilespmem:s18], [sflag:$0x1] =	stream.linear.gather [hbm4b:s28+s18], $0x4000, $0x38;
	[tilespmem:$0x18100] =	vst v63  }
.LBB2_4:
0x1e: {  	s19 =	sshll.u32 s18, $0xF  }
0x1f: {  	s0 =	sor.u32 s19, s4  }
0x20: {  	_ =	swait.ge [sflag:s10], $0x4000;
	s0 =	sshrl.u32 s0, $0x3  }
0x21: {  	[sflag:s10] =	ssyncset.done $0x0;
	s0 =	sadd.s32 s0, s3  }
0x22: {  	s31 =	simm.s32 $0x40;
	[sflag:s10] =	ssyncadd.s32 $0xFFFFC000;
	s0 =	sadd.s32 $0x800, s0  }
0x23: {  	[tilespmem:s11], [sflag:$0x2] =	stream.linear.gather [hbm4b:s0+s2], $0x4000, $0x38;
	[tilespmem:$0x18100] =	vst v63  }
0x24: {  	v2 =	vld [tilespmem:s31+$0xFFFFFFC0];
	_ =	sdelay $0x1  }
0x25: {  	v4 =	vld [tilespmem:s31+$0xFFFFFFD0]  }
0x26: {  	v5 =	vld [tilespmem:s31+$0xFFFFFFE0]  }
0x27: {  	v8 =	vld [tilespmem:s31+$0xFFFFFFF0]  }
0x28: {  	v6 =	vmul.f32 $1.442695020e+00, v2  }
0x29: {  	vm0 =	vlt.f32 v2, $0.0e+00;
	v7 =	vxor.u32 $0xFFFFFFFF, v2;
	v2 =	vxor.u32 $0x80000000, v2  }
0x2a: {  	vm1 =	vlt.f32 v4, $0.0e+00;
	v9 =	vmul.f32 $1.442695020e+00, v4;
	(erf) = vpow2.f32 v6  }
0x2b: {  	vm11 =	vlt.f32 v5, $0.0e+00;
	v10 =	vmul.f32 $1.442695020e+00, v5;
	v6 =	vsel vm0, v7, v2;
	v7 =	vld [tilespmem:s31+$0x0]  }
0x2c: {  	vm12 =	vlt.f32 v8, $0.0e+00;
	v2 =	vxor.u32 $0xFFFFFFFF, v4;
	v4 =	vxor.u32 $0x80000000, v4  }
0x2d: {  	v11 =	vmul.f32 $1.442695020e+00, v8;
	(erf) = vpow2.f32 v9;
	v9 =	vsel vm1, v2, v4  }
0x2e: {  	v2 =	vxor.u32 $0xFFFFFFFF, v5;
	v4 =	vxor.u32 $0x80000000, v5;
	v5 =	vld [tilespmem:s31+$0x10];
	(erf) = vpow2.f32 v10  }
0x2f: {  	v10 =	vsel vm11, v2, v4;
	v2 =	vxor.u32 $0xFFFFFFFF, v8;
	v4 =	vxor.u32 $0x80000000, v8  }
0x30: {  	v8 =	vld [tilespmem:s31+$0x20];
	(erf) = vpow2.f32 v11;
	v11 =	vsel vm12, v2, v4;
	v2 =	vxor.u32 $0xFFFFFFFF, v7  }
0x31: {  	v12 =	vmul.f32 $1.442695020e+00, v7  }
0x32: {  	vm13 =	vlt.f32 v7, $0.0e+00;
	v4 =	vxor.u32 $0x80000000, v7;
	v7 =	vld [tilespmem:s31+$0x30]  }
0x33: {  	v13 =	vmul.f32 $1.442695020e+00, v5;
	(erf) = vpow2.f32 v12;
	v12 =	vsel vm13, v2, v4;
	v2 =	vpop (erf)  }
0x34: {  	v6 =	vshrl.u32 v6, $0x10;
	v18 =	vshrl.u32 v9, $0x10;
	v4 =	vadd.f32 v2, v3  }
0x35: {  	v19 =	vshrl.u32 v10, $0x10;
	v15 =	vmul.f32 $1.442695020e+00, v8;
	(erf) = vpow2.f32 v13  }
0x36: {  	vm14 =	vlt.f32 v5, $0.0e+00;
	v14 =	vxor.u32 $0xFFFFFFFF, v5;
	v5 =	vxor.u32 $0x80000000, v5;
	v3 =	vpop (erf)  }
0x37: {  	(erf) = vpow2.f32 v15;
	v17 =	vmul.f32 $1.442695020e+00, v7;
	v16 =	vadd.f32 v3, v4  }
0x38: {  	vm15 =	vlt.f32 v8, $0.0e+00;
	vm2 =	vlt.f32 v7, $0.0e+00;
	v15 =	vxor.u32 $0xFFFFFFFF, v7;
	v4 =	vpop (erf)  }
0x39: {  	v7 =	vxor.u32 $0x80000000, v7;
	(erf) = vpow2.f32 v17;
	v16 =	vadd.f32 v4, v16  }
0x3a: {  	v14 =	vsel vm14, v14, v5;
	v13 =	vxor.u32 $0xFFFFFFFF, v8;
	v8 =	vxor.u32 $0x80000000, v8;
	v5 =	vpop (erf)  }
0x3b: {  	v9 =	vshrl.u32 v14, $0x10;
	v17 =	vsel vm15, v13, v8;
	v8 =	vadd.f32 v5, v16  }
0x3c: {  	v14 =	vand.u32 $0xFFF0, v19;
	v15 =	vsel vm2, v15, v7;
	v13 =	vshrl.u32 v11, $0x10;
	v7 =	vpop (erf)  }
0x3d: {  	v11 =	vshrl.u32 v12, $0x10;
	v10 =	vshrl.u32 v15, $0x10;
	v8 =	vadd.f32 v7, v8  }
0x3e: {  	s1 =	simm.s32 $0xC0;
	s0 =	simm.s32 $0x0;
	v15 =	vand.u32 $0xFFF0, v6;
	v12 =	vshrl.u32 v17, $0x10;
	v16 =	vand.u32 $0xFFF0, v18;
	v6 =	vpop (erf)  }
.LBB2_5:
0x3f: {  	v17 =	vld [tilespmem:s1+$0xFFFFFFC0];
	s0 =	sadd.s32 $0x8, s0;
	v13 =	vand.u32 $0xFFF0, v13;
	v11 =	vand.u32 $0xFFF0, v11;
	v8 =	vadd.f32 v6, v8  }
0x40: {  	v9 =	vand.u32 $0xFFF0, v9;
	v12 =	vand.u32 $0xFFF0, v12;
	v10 =	vand.u32 $0xFFF0, v10;
	p0 =	slt.u32 s0, $0x3F8;
	v18 =	vpop (erf)  }
0x41: {  	v15 =	vor.u32 v1, v15;
	v16 =	vor.u32 v1, v16;
	v19 =	vld [tilespmem:s1+$0xFFFFFFD0];
	v8 =	vadd.f32 v18, v8  }
0x42: {  	v14 =	vor.u32 v1, v14;
	v13 =	vor.u32 v1, v13;
	v11 =	vor.u32 v1, v11;
	v20 =	vpop (erf)  }
0x43: {  	v9 =	vor.u32 v1, v9;
	v12 =	vor.u32 v1, v12;
	v21 =	vld [tilespmem:s1+$0xFFFFFFE0];
	v8 =	vadd.f32 v20, v8  }
0x44: {  	vm0 =	vlt.f32 v17, $0.0e+00;
	v22 =	vxor.u32 $0xFFFFFFFF, v17;
	v23 =	vmul.f32 $1.442695020e+00, v17  }
0x45: {  	v10 =	vor.u32 v1, v10;
	v17 =	vxor.u32 $0x80000000, v17;
	v24 =	vld [tilespmem:s1+$0xFFFFFFF0]  }
0x46: {  	vm1 =	vlt.f32 v19, $0.0e+00;
	v25 =	vmul.f32 $1.442695020e+00, v19;
	(erf) = vpow2.f32 v23;
	[tilespmem:v15+s12+$0x0] =	vst.idx.add.f32.msk $0xffff, v2  }
0x47: {  	v15 =	vsel vm0, v22, v17;
	v2 =	vxor.u32 $0xFFFFFFFF, v19;
	v17 =	vxor.u32 $0x80000000, v19;
	v19 =	vld [tilespmem:s1+$0x0]  }
0x48: {  	vm0 =	vlt.f32 v21, $0.0e+00;
	v22 =	vmul.f32 $1.442695020e+00, v21;
	(erf) = vpow2.f32 v25;
	[tilespmem:v16+s12+$0x0] =	vst.idx.add.f32.msk $0xffff, v3  }
0x49: {  	v16 =	vsel vm1, v2, v17;
	v2 =	vxor.u32 $0xFFFFFFFF, v21;
	v3 =	vxor.u32 $0x80000000, v21;
	v17 =	vld [tilespmem:s1+$0x10]  }
0x4a: {  	vm1 =	vlt.f32 v24, $0.0e+00;
	v21 =	vmul.f32 $1.442695020e+00, v24;
	(erf) = vpow2.f32 v22;
	[tilespmem:v14+s12+$0x0] =	vst.idx.add.f32.msk $0xffff, v4  }
0x4b: {  	v14 =	vsel vm0, v2, v3;
	v2 =	vxor.u32 $0xFFFFFFFF, v24;
	v3 =	vxor.u32 $0x80000000, v24;
	v4 =	vld [tilespmem:s1+$0x20]  }
0x4c: {  	vm0 =	vlt.f32 v19, $0.0e+00;
	v22 =	vmul.f32 $1.442695020e+00, v19;
	(erf) = vpow2.f32 v21;
	[tilespmem:v13+s12+$0x0] =	vst.idx.add.f32.msk $0xffff, v5  }
0x4d: {  	v13 =	vsel vm1, v2, v3;
	v21 =	vxor.u32 $0xFFFFFFFF, v19;
	v3 =	vxor.u32 $0x80000000, v19;
	v5 =	vld [tilespmem:s1+$0x30]  }
0x4e: {  	vm1 =	vlt.f32 v17, $0.0e+00;
	v19 =	vmul.f32 $1.442695020e+00, v17;
	(erf) = vpow2.f32 v22;
	[tilespmem:v11+s12+$0x0] =	vst.idx.add.f32.msk $0xffff, v7  }
0x4f: {  	v7 =	vsel vm0, v21, v3;
	v11 =	vxor.u32 $0xFFFFFFFF, v17;
	v17 =	vxor.u32 $0x80000000, v17;
	v2 =	vpop (erf);
	[tilespmem:v9+s12+$0x0] =	vst.idx.add.f32.msk $0xffff, v6  }
0x50: {  	v6 =	vadd.f32 v2, v8;
	v8 =	vmul.f32 $1.442695020e+00, v4;
	(erf) = vpow2.f32 v19;
	[tilespmem:v12+s12+$0x0] =	vst.idx.add.f32.msk $0xffff, v18  }
0x51: {  	vm0 =	vlt.f32 v4, $0.0e+00;
	v9 =	vxor.u32 $0xFFFFFFFF, v4;
	v12 =	vxor.u32 $0x80000000, v4;
	v3 =	vpop (erf);
	[tilespmem:v10+s12+$0x0] =	vst.idx.add.f32.msk $0xffff, v20  }
0x52: {  	v6 =	vadd.f32 v3, v6;
	v10 =	vmul.f32 $1.442695020e+00, v5;
	(erf) = vpow2.f32 v8  }
0x53: {  	vm2 =	vlt.f32 v5, $0.0e+00;
	v8 =	vxor.u32 $0xFFFFFFFF, v5;
	v19 =	vxor.u32 $0x80000000, v5;
	v4 =	vpop (erf)  }
0x54: {  	v17 =	vsel vm1, v11, v17;
	v6 =	vadd.f32 v4, v6;
	(erf) = vpow2.f32 v10  }
.Ltmp1:
0x55: {  	v15 =	vshrl.u32 v15, $0x10;
	v18 =	vsel vm2, v8, v19;
	v10 =	vsel vm0, v9, v12;
	v5 =	vpop (erf);
	(pc) =	sbr.rel @p0 .LBB2_5-.Ltmp1, $4  }
0x56: {  	v16 =	vshrl.u32 v16, $0x10;
	v14 =	vshrl.u32 v14, $0x10;
	v19 =	vadd.f32 v5, v6  }
0x57: {  	v13 =	vshrl.u32 v13, $0x10;
	v11 =	vshrl.u32 v7, $0x10;
	v9 =	vshrl.u32 v17, $0x10;
	v7 =	vpop (erf)  }
0x58: {  	v12 =	vshrl.u32 v10, $0x10;
	v10 =	vshrl.u32 v18, $0x10;
	v8 =	vadd.f32 v7, v19  }
0x59: {  	v15 =	vand.u32 $0xFFF0, v15;
	v16 =	vand.u32 $0xFFF0, v16;
	v14 =	vand.u32 $0xFFF0, v14;
	s1 =	sadd.s32 $0x80, s1;
	v6 =	vpop (erf)  }
0x5a: {  	v15 =	vor.u32 v1, v15  }
0x5b: {  	v16 =	vor.u32 v1, v16  }
0x5c: {  	v13 =	vand.u32 $0xFFF0, v13;
	v14 =	vor.u32 v1, v14  }
0x5d: {  	v11 =	vand.u32 $0xFFF0, v11;
	v13 =	vor.u32 v1, v13  }
0x5e: {  	v9 =	vand.u32 $0xFFF0, v9;
	v11 =	vor.u32 v1, v11  }
0x5f: {  	v12 =	vand.u32 $0xFFF0, v12;
	v9 =	vor.u32 v1, v9;
	[tilespmem:v15+s12+$0x0] =	vst.idx.add.f32.msk $0xffff, v2  }
0x60: {  	v2 =	vand.u32 $0xFFF0, v10;
	v10 =	vor.u32 v1, v12;
	[tilespmem:v16+s12+$0x0] =	vst.idx.add.f32.msk $0xffff, v3  }
0x61: {  	[tilespmem:v14+s12+$0x0] =	vst.idx.add.f32.msk $0xffff, v4;
	v2 =	vor.u32 v1, v2  }
0x62: {  	[tilespmem:v13+s12+$0x0] =	vst.idx.add.f32.msk $0xffff, v5  }
0x63: {  	[tilespmem:v11+s12+$0x0] =	vst.idx.add.f32.msk $0xffff, v7  }
0x64: {  	v3 =	vpop (erf);
	[tilespmem:v9+s12+$0x0] =	vst.idx.add.f32.msk $0xffff, v6  }
0x65: {  	v4 =	vpop (erf);
	[tilespmem:v10+s12+$0x0] =	vst.idx.add.f32.msk $0xffff, v3  }
0x66: {  	p0 =	seq.s32 s18, $0x1F;
	[tilespmem:v2+s12+$0x0] =	vst.idx.add.f32.msk $0xffff, v4  }
0x67: {  	s0 =	sadd.s32 @!p0 s19, s7;
	_ =	swait.ge [sflag:s13], $0x4000  }
0x68: {  	s31 =	simm.s32 $0x4070;
	s0 =	sshrl.u32 @!p0 s0, $0x3;
	[sflag:s13] =	ssyncset.done $0x0  }
0x69: {  	s1 =	simm.s32 @!p0 $0x0;
	s0 =	sadd.s32 @!p0 s3, s0;
	[sflag:s13] =	ssyncadd.s32 $0xFFFFC000  }
0x6a: {  	[tilespmem:s1], [sflag:$0x1] =	stream.linear.gather @!p0 [hbm4b:s0+s1], $0x4000, $0x38;
	[tilespmem:$0x18100] =	vst v63  }
0x6b: {  	v2 =	vld [tilespmem:s31+$0xFFFFFF90]  }
0x6c: {  	v5 =	vadd.f32 v6, v8  }
0x6d: {  	v6 =	vld [tilespmem:s31+$0xFFFFFFA0]  }
0x6e: {  	v3 =	vadd.f32 v3, v5;
	v5 =	vld [tilespmem:s31+$0xFFFFFFB0]  }
0x6f: {  	v8 =	vld [tilespmem:s31+$0xFFFFFFC0]  }
0x70: {  	v3 =	vadd.f32 v4, v3;
	v4 =	vmul.f32 $1.442695020e+00, v2  }
0x71: {  	vm0 =	vlt.f32 v2, $0.0e+00;
	v7 =	vxor.u32 $0xFFFFFFFF, v2;
	v2 =	vxor.u32 $0x80000000, v2  }
0x72: {  	vm1 =	vlt.f32 v6, $0.0e+00;
	v9 =	vmul.f32 $1.442695020e+00, v6;
	(erf) = vpow2.f32 v4  }
0x73: {  	v7 =	vsel vm0, v7, v2;
	v2 =	vxor.u32 $0xFFFFFFFF, v6;
	v4 =	vxor.u32 $0x80000000, v6;
	v6 =	vld [tilespmem:s31+$0xFFFFFFD0]  }
0x74: {  	vm11 =	vlt.f32 v5, $0.0e+00;
	v10 =	vmul.f32 $1.442695020e+00, v5;
	vm12 =	vlt.f32 v8, $0.0e+00  }
0x75: {  	v11 =	vmul.f32 $1.442695020e+00, v8;
	(erf) = vpow2.f32 v9;
	v9 =	vsel vm1, v2, v4  }
0x76: {  	v2 =	vxor.u32 $0xFFFFFFFF, v5;
	v4 =	vxor.u32 $0x80000000, v5;
	v5 =	vld [tilespmem:s31+$0xFFFFFFE0];
	(erf) = vpow2.f32 v10  }
0x77: {  	v10 =	vsel vm11, v2, v4;
	v2 =	vxor.u32 $0xFFFFFFFF, v8;
	v4 =	vxor.u32 $0x80000000, v8  }
0x78: {  	v8 =	vld [tilespmem:s31+$0xFFFFFFF0];
	(erf) = vpow2.f32 v11;
	v11 =	vsel vm12, v2, v4;
	v2 =	vxor.u32 $0xFFFFFFFF, v6  }
0x79: {  	v12 =	vmul.f32 $1.442695020e+00, v6  }
0x7a: {  	vm13 =	vlt.f32 v6, $0.0e+00;
	v4 =	vxor.u32 $0x80000000, v6;
	v6 =	vld [tilespmem:s31+$0x0]  }
0x7b: {  	v13 =	vmul.f32 $1.442695020e+00, v5;
	(erf) = vpow2.f32 v12;
	v12 =	vsel vm13, v2, v4;
	v2 =	vpop (erf)  }
0x7c: {  	v7 =	vshrl.u32 v7, $0x10;
	v18 =	vshrl.u32 v9, $0x10;
	v4 =	vadd.f32 v2, v3  }
0x7d: {  	v19 =	vshrl.u32 v10, $0x10;
	v15 =	vmul.f32 $1.442695020e+00, v8;
	(erf) = vpow2.f32 v13  }
0x7e: {  	vm14 =	vlt.f32 v5, $0.0e+00;
	v14 =	vxor.u32 $0xFFFFFFFF, v5;
	v5 =	vxor.u32 $0x80000000, v5;
	v3 =	vpop (erf)  }
0x7f: {  	v17 =	vmul.f32 $1.442695020e+00, v6;
	(erf) = vpow2.f32 v15;
	v16 =	vadd.f32 v3, v4  }
0x80: {  	vm15 =	vlt.f32 v8, $0.0e+00;
	vm2 =	vlt.f32 v6, $0.0e+00;
	v15 =	vxor.u32 $0xFFFFFFFF, v6;
	v4 =	vpop (erf)  }
0x81: {  	v6 =	vxor.u32 $0x80000000, v6;
	(erf) = vpow2.f32 v17;
	v16 =	vadd.f32 v4, v16  }
0x82: {  	v14 =	vsel vm14, v14, v5;
	v13 =	vxor.u32 $0xFFFFFFFF, v8;
	v8 =	vxor.u32 $0x80000000, v8;
	v5 =	vpop (erf)  }
0x83: {  	v9 =	vshrl.u32 v14, $0x10;
	v17 =	vsel vm15, v13, v8;
	v8 =	vadd.f32 v5, v16  }
0x84: {  	v14 =	vand.u32 $0xFFF0, v19;
	v15 =	vsel vm2, v15, v6;
	v13 =	vshrl.u32 v11, $0x10;
	v6 =	vpop (erf)  }
0x85: {  	v11 =	vshrl.u32 v12, $0x10;
	v10 =	vshrl.u32 v15, $0x10;
	v8 =	vadd.f32 v6, v8  }
0x86: {  	s0 =	simm.s32 $0x0;
	s1 =	simm.s32 $0x40F0;
	v15 =	vand.u32 $0xFFF0, v7;
	v12 =	vshrl.u32 v17, $0x10;
	v16 =	vand.u32 $0xFFF0, v18;
	v7 =	vpop (erf)  }
.LBB2_7:
0x87: {  	v17 =	vld [tilespmem:s1+$0xFFFFFF90];
	s0 =	sadd.s32 $0x8, s0;
	v13 =	vand.u32 $0xFFF0, v13;
	v11 =	vand.u32 $0xFFF0, v11;
	v8 =	vadd.f32 v7, v8  }
0x88: {  	v9 =	vand.u32 $0xFFF0, v9;
	v12 =	vand.u32 $0xFFF0, v12;
	v10 =	vand.u32 $0xFFF0, v10;
	p0 =	slt.u32 s0, $0x3F8;
	v18 =	vpop (erf)  }
0x89: {  	v15 =	vor.u32 v1, v15;
	v16 =	vor.u32 v1, v16;
	v19 =	vld [tilespmem:s1+$0xFFFFFFA0];
	v8 =	vadd.f32 v18, v8  }
0x8a: {  	v14 =	vor.u32 v1, v14;
	v13 =	vor.u32 v1, v13;
	v11 =	vor.u32 v1, v11;
	v20 =	vpop (erf)  }
0x8b: {  	v9 =	vor.u32 v1, v9;
	v12 =	vor.u32 v1, v12;
	v21 =	vld [tilespmem:s1+$0xFFFFFFB0];
	v8 =	vadd.f32 v20, v8  }
0x8c: {  	vm0 =	vlt.f32 v17, $0.0e+00;
	v22 =	vxor.u32 $0xFFFFFFFF, v17;
	v23 =	vmul.f32 $1.442695020e+00, v17  }
0x8d: {  	v10 =	vor.u32 v1, v10;
	v17 =	vxor.u32 $0x80000000, v17;
	v24 =	vld [tilespmem:s1+$0xFFFFFFC0]  }
0x8e: {  	vm1 =	vlt.f32 v19, $0.0e+00;
	v25 =	vmul.f32 $1.442695020e+00, v19;
	(erf) = vpow2.f32 v23;
	[tilespmem:v15+s12+$0x0] =	vst.idx.add.f32.msk $0xffff, v2  }
0x8f: {  	v15 =	vsel vm0, v22, v17;
	v2 =	vxor.u32 $0xFFFFFFFF, v19;
	v17 =	vxor.u32 $0x80000000, v19;
	v19 =	vld [tilespmem:s1+$0xFFFFFFD0]  }
0x90: {  	vm0 =	vlt.f32 v21, $0.0e+00;
	v22 =	vmul.f32 $1.442695020e+00, v21;
	(erf) = vpow2.f32 v25;
	[tilespmem:v16+s12+$0x0] =	vst.idx.add.f32.msk $0xffff, v3  }
0x91: {  	v16 =	vsel vm1, v2, v17;
	v2 =	vxor.u32 $0xFFFFFFFF, v21;
	v3 =	vxor.u32 $0x80000000, v21;
	v17 =	vld [tilespmem:s1+$0xFFFFFFE0]  }
0x92: {  	vm1 =	vlt.f32 v24, $0.0e+00;
	v21 =	vmul.f32 $1.442695020e+00, v24;
	(erf) = vpow2.f32 v22;
	[tilespmem:v14+s12+$0x0] =	vst.idx.add.f32.msk $0xffff, v4  }
0x93: {  	v14 =	vsel vm0, v2, v3;
	v2 =	vxor.u32 $0xFFFFFFFF, v24;
	v3 =	vxor.u32 $0x80000000, v24;
	v4 =	vld [tilespmem:s1+$0xFFFFFFF0]  }
0x94: {  	vm0 =	vlt.f32 v19, $0.0e+00;
	v22 =	vmul.f32 $1.442695020e+00, v19;
	(erf) = vpow2.f32 v21;
	[tilespmem:v13+s12+$0x0] =	vst.idx.add.f32.msk $0xffff, v5  }
0x95: {  	v13 =	vsel vm1, v2, v3;
	v21 =	vxor.u32 $0xFFFFFFFF, v19;
	v3 =	vxor.u32 $0x80000000, v19;
	v5 =	vld [tilespmem:s1+$0x0]  }
0x96: {  	vm1 =	vlt.f32 v17, $0.0e+00;
	v19 =	vmul.f32 $1.442695020e+00, v17;
	(erf) = vpow2.f32 v22;
	[tilespmem:v11+s12+$0x0] =	vst.idx.add.f32.msk $0xffff, v6  }
0x97: {  	v6 =	vsel vm0, v21, v3;
	v11 =	vxor.u32 $0xFFFFFFFF, v17;
	v17 =	vxor.u32 $0x80000000, v17;
	v2 =	vpop (erf);
	[tilespmem:v9+s12+$0x0] =	vst.idx.add.f32.msk $0xffff, v7  }
0x98: {  	v7 =	vadd.f32 v2, v8;
	v8 =	vmul.f32 $1.442695020e+00, v4;
	(erf) = vpow2.f32 v19;
	[tilespmem:v12+s12+$0x0] =	vst.idx.add.f32.msk $0xffff, v18  }
0x99: {  	vm0 =	vlt.f32 v4, $0.0e+00;
	v9 =	vxor.u32 $0xFFFFFFFF, v4;
	v12 =	vxor.u32 $0x80000000, v4;
	v3 =	vpop (erf);
	[tilespmem:v10+s12+$0x0] =	vst.idx.add.f32.msk $0xffff, v20  }
0x9a: {  	v7 =	vadd.f32 v3, v7;
	v10 =	vmul.f32 $1.442695020e+00, v5;
	(erf) = vpow2.f32 v8  }
0x9b: {  	vm2 =	vlt.f32 v5, $0.0e+00;
	v8 =	vxor.u32 $0xFFFFFFFF, v5;
	v19 =	vxor.u32 $0x80000000, v5;
	v4 =	vpop (erf)  }
0x9c: {  	v17 =	vsel vm1, v11, v17;
	v7 =	vadd.f32 v4, v7;
	(erf) = vpow2.f32 v10  }
.Ltmp2:
0x9d: {  	v15 =	vshrl.u32 v15, $0x10;
	v18 =	vsel vm2, v8, v19;
	v10 =	vsel vm0, v9, v12;
	v5 =	vpop (erf);
	(pc) =	sbr.rel @p0 .LBB2_7-.Ltmp2, $4  }
0x9e: {  	v16 =	vshrl.u32 v16, $0x10;
	v14 =	vshrl.u32 v14, $0x10;
	v19 =	vadd.f32 v5, v7  }
0x9f: {  	v13 =	vshrl.u32 v13, $0x10;
	v11 =	vshrl.u32 v6, $0x10;
	v9 =	vshrl.u32 v17, $0x10;
	v6 =	vpop (erf)  }
0xa0: {  	v12 =	vshrl.u32 v10, $0x10;
	v10 =	vshrl.u32 v18, $0x10;
	v8 =	vadd.f32 v6, v19  }
0xa1: {  	v15 =	vand.u32 $0xFFF0, v15;
	v16 =	vand.u32 $0xFFF0, v16;
	v14 =	vand.u32 $0xFFF0, v14;
	s1 =	sadd.s32 $0x80, s1;
	v7 =	vpop (erf)  }
0xa2: {  	v15 =	vor.u32 v1, v15  }
0xa3: {  	v16 =	vor.u32 v1, v16  }
0xa4: {  	v13 =	vand.u32 $0xFFF0, v13;
	v14 =	vor.u32 v1, v14  }
0xa5: {  	v11 =	vand.u32 $0xFFF0, v11;
	v13 =	vor.u32 v1, v13  }
0xa6: {  	v9 =	vand.u32 $0xFFF0, v9;
	v11 =	vor.u32 v1, v11  }
0xa7: {  	v12 =	vand.u32 $0xFFF0, v12;
	v9 =	vor.u32 v1, v9;
	[tilespmem:v15+s12+$0x0] =	vst.idx.add.f32.msk $0xffff, v2  }
0xa8: {  	s18 =	sadd.s32 $0x1, s18;
	v63 =	vor.u32 v1, v12;
	v2 =	vand.u32 $0xFFF0, v10;
	[tilespmem:v16+s12+$0x0] =	vst.idx.add.f32.msk $0xffff, v3  }
0xa9: {  	p0 =	sne.s32 s18, $0x20;
	[tilespmem:v14+s12+$0x0] =	vst.idx.add.f32.msk $0xffff, v4;
	v2 =	vor.u32 v1, v2  }
.Ltmp3:
0xaa: {  	v3 =	vadd.f32 v7, v8;
	[tilespmem:v13+s12+$0x0] =	vst.idx.add.f32.msk $0xffff, v5;
	(pc) =	sbr.rel @p0 .LBB2_4-.Ltmp3, $4  }
0xab: {  	v4 =	vpop (erf);
	[tilespmem:v11+s12+$0x0] =	vst.idx.add.f32.msk $0xffff, v6  }
0xac: {  	[tilespmem:v9+s12+$0x0] =	vst.idx.add.f32.msk $0xffff, v7;
	v3 =	vadd.f32 v4, v3  }
0xad: {  	v5 =	vpop (erf);
	[tilespmem:v63+s12+$0x0] =	vst.idx.add.f32.msk $0xffff, v4  }
0xae: {  	v3 =	vadd.f32 v5, v3;
	[tilespmem:v2+s12+$0x0] =	vst.idx.add.f32.msk $0xffff, v5  }
0xaf: {  	[dreg:$0x7] =	wrdreg s5;
	s22 =	simm.s32 $0x17F80  }
0xb0: {  	v2 =	vld [tilespmem:s22+$0x70]  }
0xb1: {  	v4 =	vld [tilespmem:s22+$0x60];
	_ =	sdelay $0x2  }
0xb2: {  	(xrf2) =	vadd.scan.msk.f32 $0xffff, v3  }
0xb3: {  	(xrf2) =	vadd.scan.msk.f32 $0xffff, v2  }
0xb4: {  	(xrf2) =	vadd.scan.msk.f32 $0xffff, v4;
	_ =	sdelay $0x1  }
0xb5: {  	v2 =	vld [tilespmem:s22+$0x50];
	_ =	sdelay $0x1  }
0xb6: {  	v3 =	vld [tilespmem:s22+$0x30]  }
0xb7: {  	v4 =	vld [tilespmem:s22+$0x40];
	_ =	sdelay $0x1  }
0xb8: {  	(xrf2) =	vadd.scan.msk.f32 $0xffff, v2;
	v2 =	vld [tilespmem:s22+$0x20]  }
0xb9: {  	v5, _, _ =	vpop (xrf2)  }
0xba: {  	(xrf2) =	vadd.scan.msk.f32 $0xffff, v3;
	(v2sf) =	vpush v5, $0xF;
	v3, _, _ =	vpop (xrf2)  }
0xbb: {  	(xrf2) =	vadd.scan.msk.f32 $0xffff, v4;
	v4 =	vld [tilespmem:s22+$0x10];
	(v2sf) =	vpush v3, $0xF;
	v3, _, _ =	vpop (xrf2)  }
0xbc: {  	(v2sf) =	vpush v3, $0xF  }
0xbd: {  	(xrf2) =	vadd.scan.msk.f32 $0xffff, v2;
	_ =	sdelay $0x2  }
0xbe: {  	(xrf2) =	vadd.scan.msk.f32 $0xffff, v4;
	_ =	sdelay $0x2  }
0xbf: {  	v2, _, _ =	vpop (xrf2)  }
0xc0: {  	(v2sf) =	vpush v2, $0xF;
	v2, _, _ =	vpop (xrf2)  }
0xc1: {  	v3, _, _ =	vpop (xrf2)  }
0xc2: {  	(v2sf) =	vpush v3, $0xF  }
0xc3: {  	(v2sf) =	vpush v2, $0xF;
	v2, _, _ =	vpop (xrf2)  }
0xc4: {  	(v2sf) =	vpush v2, $0xF;
	v2 =	vld [tilespmem:s22+$0x0]  }
0xc5: {  	s23 =	simm.s32 $0x17F00;
	s0 =	spop (v2sf)  }
0xc6: {  	v4 =	vld [tilespmem:s23+$0x70];
	v3, _, _ =	vpop (xrf2);
	s1 =	spop (v2sf)  }
0xc7: {  	s9 =	spop (v2sf);
	(v2sf) =	vpush v3, $0xF;
	_ =	sdelay $0x1  }
0xc8: {  	s20 =	simm.f32 $0.0e+00;
	v3 =	vld [tilespmem:s23+$0x60];
	(xrf2) =	vadd.scan.msk.f32 $0xffff, v2  }
0xc9: {  	s18 =	simm.s32 $0x0;
	v5 =	vld [tilespmem:s23+$0x50];
	s8 =	sadd.f32 s1, s20  }
0xca: {  	s25 =	simm.s32 $0xFF8;
	s26 =	simm.s32 $0x8;
	v6 =	vld [tilespmem:s23+$0x30];
	s19 =	smul.f32 $8.999999760e-01, s0;
	(xrf2) =	vadd.scan.msk.f32 $0xffff, v4  }
0xcb: {  	s21 =	simm.f32 $0.0e+00;
	s28 =	simm.s32 $0xFFC;
	s30 =	sadd.f32 s9, s8  }
0xcc: {  	s31 =	simm.s32 $0xFFF;
	[tilespmem:s22+$0x70] =	vst v0;
	p4 =	slt.f32 s20, s19;
	p2 =	sge.f32 s8, s19  }
0xcd: {  	s24 =	simm.s32 $0xFF0;
	[tilespmem:s22+$0x60] =	vst v0;
	p0 =	slt.f32 s8, s19;
	p1 =	sge.f32 s30, s19;
	(xrf2) =	vadd.scan.msk.f32 $0xffff, v3  }
0xce: {  	[tilespmem:s22+$0x30] =	vst v0;
	s6 =	spop (v2sf);
	p3 =	slt.f32 s30, s19;
	p2 =	por !p4, !p2;
	(xrf2) =	vadd.scan.msk.f32 $0xffff, v5  }
0xcf: {  	[tilespmem:s23+$0x30] =	vst v0;
	s5 =	sadd.f32 s6, s30;
	p5 =	por !p2, !p2;
	p0 =	por !p0, !p1;
	(xrf2) =	vadd.scan.msk.f32 $0xffff, v6  }
0xd0: {  	[tilespmem:s22+$0x50] =	vst v0;
	s21 =	smov.u32 @p5 s1;
	s18 =	smov.u32 @p5 s31;
	s20 =	smov.u32 @p5 s8  }
0xd1: {  	[tilespmem:s22+$0x40] =	vst v0;
	s8 =	simm.s32 $0xFFE;
	p0 =	por !p0, !p0;
	p1 =	sge.f32 s5, s19  }
0xd2: {  	[tilespmem:s22+$0x20] =	vst v0;
	v2 =	vld [tilespmem:s23+$0x40];
	p6 =	slt.f32 s5, s19;
	s21 =	smov.u32 @p0 s9;
	s14 =	spop (v2sf);
	v5, _, _ =	vpop (xrf2)  }
0xd3: {  	[tilespmem:s23+$0x50] =	vst v0;
	v3 =	vld [tilespmem:s23+$0x20];
	s9 =	simm.s32 $0xFFD;
	s18 =	smov.u32 @p0 s8;
	s0 =	spop (v2sf);
	(v2sf) =	vpush v5, $0xF  }
0xd4: {  	[tilespmem:s22+$0x10] =	vst v0;
	v4 =	vld [tilespmem:s23+$0x10];
	s20 =	smov.u32 @p0 s30;
	s16 =	sadd.f32 s14, s5;
	s29 =	spop (v2sf);
	v5, _, _ =	vpop (xrf2)  }
0xd5: {  	[tilespmem:s23+$0x70] =	vst v0;
	s30 =	simm.s32 $0x17E80;
	p1 =	por !p3, !p1;
	s31 =	spop (v2sf);
	(v2sf) =	vpush v5, $0xF  }
0xd6: {  	[tilespmem:s23+$0x60] =	vst v0;
	p0 =	por !p1, !p1;
	s1 =	sadd.f32 s0, s16;
	p5 =	sge.f32 s16, s19  }
0xd7: {  	[tilespmem:s23+$0x40] =	vst v0;
	s18 =	smov.u32 @p0 s9;
	s21 =	smov.u32 @p0 s6;
	s20 =	smov.u32 @p0 s5;
	(xrf2) =	vadd.scan.msk.f32 $0xffff, v2;
	v2, _, _ =	vpop (xrf2)  }
0xd8: {  	[tilespmem:s23+$0x10] =	vst v0;
	p2 =	slt.f32 s16, s19;
	(xrf2) =	vadd.scan.msk.f32 $0xffff, v3;
	p6 =	por !p6, !p5;
	p4 =	sge.f32 s1, s19;
	(v2sf) =	vpush v2, $0xF;
	v2, _, _ =	vpop (xrf2)  }
0xd9: {  	[tilespmem:s23+$0x20] =	vst v0;
	v3 =	vld [tilespmem:s23+$0x0];
	p3 =	slt.f32 s1, s19;
	s5 =	sadd.f32 s29, s1;
	p1 =	por !p6, !p6;
	(v2sf) =	vpush v2, $0xF;
	v2, _, _ =	vpop (xrf2);
	(xrf2) =	vadd.scan.msk.f32 $0xffff, v4  }
.LBB2_10:
0xda: {  	_ =	sdelay $0x4  }
0xdb: {  	s20 =	smov.u32 @p1 s16;
	s21 =	smov.u32 @p1 s14;
	s26 =	sadd.s32 $0x8, s26  }
0xdc: {  	s18 =	smov.u32 @p1 s28;
	p0 =	por !p2, !p4;
	p2 =	slt.f32 s5, s19  }
0xdd: {  	s17 =	sadd.s32 $0x1, s25;
	s16 =	sadd.f32 s31, s5;
	p4 =	sge.f32 s5, s19  }
0xde: {  	p0 =	por !p0, !p0;
	s6 =	simm.s32 @!p2 $0x0;
	s15 =	spop (v2sf)  }
0xdf: {  	s21 =	smov.u32 @p0 s0;
	s6 =	simm.s32 @p2 $0x1;
	s14 =	sadd.f32 s15, s16  }
0xe0: {  	p2 =	slt.u32 s26, $0xFF8;
	[smem:$0x7FA] =	sst s6;
	s0 =	spop (v2sf)  }
0xe1: {  	p6 =	sge.f32 s16, s19;
	s6 =	simm.s32 @!p2 $0x0;
	s8 =	sadd.f32 s0, s14  }
0xe2: {  	s20 =	smov.u32 @p0 s1;
	s6 =	simm.s32 @p2 $0x1;
	p2 =	por !p3, !p4  }
0xe3: {  	p3 =	slt.f32 s16, s19;
	v6, _, _ =	vpop (xrf2);
	p4 =	por !p2, !p2;
	p2 =	sge.f32 s8, s19  }
0xe4: {  	[smem:$0x7FD] =	sst s6;
	s6 =	sadd.s32 $0x3, s25;
	(v2sf) =	vpush v6, $0xF;
	s20 =	smov.u32 @p4 s5  }
0xe5: {  	s18 =	smov.u32 @p0 s6;
	s6 =	sld [smem:$0x7FA];
	s1 =	simm.s32 @!p2 $0x0  }
0xe6: {  	s21 =	smov.u32 @p4 s29;
	p5 =	sge.f32 s14, s19;
	s1 =	simm.s32 @p2 $0x1  }
0xe7: {  	s29 =	sadd.s32 $0x2, s25;
	[smem:$0x7FB] =	sst s1;
	s1 =	spop (v2sf)  }
0xe8: {  	p5 =	por !p3, !p5;
	p3 =	seq.s32 s6, $0x1;
	s9 =	sadd.f32 s1, s8  }
0xe9: {  	v4 =	vld [tilespmem:s30+$0x70];
	s18 =	smov.u32 @p4 s29;
	p0 =	por !p3, !p6;
	s6 =	spop (v2sf)  }
0xea: {  	(v2sf) =	vpush v2, $0xF;
	p1 =	slt.f32 s8, s19;
	p0 =	por !p0, !p0;
	s5 =	sadd.f32 s6, s9  }
0xeb: {  	v2, _, _ =	vpop (xrf2);
	(xrf2) =	vadd.scan.msk.f32 $0xffff, v3;
	s20 =	smov.u32 @p0 s16;
	s16 =	sld [smem:$0x7FB];
	p2 =	sge.f32 s9, s19  }
0xec: {  	p5 =	por !p5, !p5;
	s21 =	smov.u32 @p0 s31;
	p3 =	sge.f32 s5, s19  }
0xed: {  	s18 =	smov.u32 @p0 s17;
	p1 =	por !p1, !p2;
	p2 =	slt.f32 s14, s19  }
0xee: {  	v5 =	vld [tilespmem:s30+$0x60];
	(v2sf) =	vpush v2, $0xF;
	(xrf2) =	vadd.scan.msk.f32 $0xffff, v4;
	v4, _, _ =	vpop (xrf2);
	s21 =	smov.u32 @p5 s15;
	p6 =	seq.s32 s16, $0x1;
	s15 =	simm.s32 @!p3 $0x0  }
0xef: {  	v3 =	vld [tilespmem:s30+$0x50];
	(v2sf) =	vpush v4, $0xF;
	s18 =	smov.u32 @p5 s25;
	p2 =	por !p2, !p6;
	s15 =	simm.s32 @p3 $0x1  }
0xf0: {  	v4 =	vld [tilespmem:s30+$0x30];
	p6 =	por !p2, !p2;
	[smem:$0x7FC] =	sst s15;
	s15 =	sadd.s32 $0x7, s24  }
0xf1: {  	s18 =	smov.u32 @p6 s15;
	s15 =	sld [smem:$0x7FC]  }
0xf2: {  	s20 =	smov.u32 @p5 s14;
	s25 =	smov.u32 s24;
	p0 =	slt.f32 s5, s19  }
0xf3: {  	(xrf2) =	vadd.scan.msk.f32 $0xffff, v5;
	s17 =	sadd.s32 $0x5, s25;
	s14 =	spop (v2sf);
	p3 =	slt.f32 s9, s19  }
0xf4: {  	(xrf2) =	vadd.scan.msk.f32 $0xffff, v3;
	p1 =	por !p1, !p1;
	s16 =	sadd.f32 s14, s5;
	p5 =	seq.s32 s15, $0x1  }
0xf5: {  	v3, _, _ =	vpop (xrf2);
	(xrf2) =	vadd.scan.msk.f32 $0xffff, v4;
	s20 =	smov.u32 @p6 s8;
	s8 =	sadd.s32 $0x6, s25;
	p3 =	por !p3, !p5  }
0xf6: {  	[tilespmem:s22+$0x0] =	vst v0;
	s21 =	smov.u32 @p6 s0;
	s18 =	smov.u32 @p1 s8;
	p5 =	por !p3, !p3  }
0xf7: {  	[tilespmem:s30+$0x70] =	vst v0;
	p6 =	sge.f32 s16, s19;
	s18 =	smov.u32 @p5 s17;
	s17 =	sld [smem:$0x7FD]  }
0xf8: {  	[tilespmem:s30+$0x60] =	vst v0;
	v2 =	vld [tilespmem:s30+$0x40]  }
0xf9: {  	[tilespmem:s30+$0x50] =	vst v0;
	(v2sf) =	vpush v3, $0xF;
	v3 =	vld [tilespmem:s30+$0x20];
	v4, _, _ =	vpop (xrf2);
	s0 =	spop (v2sf);
	s21 =	smov.u32 @p1 s1;
	p0 =	por !p0, !p6  }
0xfa: {  	[tilespmem:s30+$0x40] =	vst v0;
	(v2sf) =	vpush v4, $0xF;
	v4 =	vld [tilespmem:s30+$0x10];
	s20 =	smov.u32 @p1 s9;
	p1 =	por !p0, !p0;
	p0 =	seq.s32 s17, $0x1  }
.Ltmp4:
0xfb: {  	s22 =	smov.u32 s23;
	[tilespmem:s30+$0x30] =	vst v0;
	s1 =	sadd.f32 s0, s16;
	(pc) =	sbr.rel @p0 .LBB2_10-.Ltmp4, $4  }
0xfc: {  	s23 =	smov.u32 s30;
	s28 =	sadd.s32 $0x4, s24;
	[tilespmem:s30+$0x20] =	vst v0;
	p2 =	slt.f32 s16, s19  }
0xfd: {  	(xrf2) =	vadd.scan.msk.f32 $0xffff, v2;
	v2, _, _ =	vpop (xrf2);
	[tilespmem:s30+$0x10] =	vst v0;
	s30 =	sadd.s32 $0xFFFFFF80, s30;
	s29 =	spop (v2sf);
	p4 =	sge.f32 s1, s19  }
0xfe: {  	(xrf2) =	vadd.scan.msk.f32 $0xffff, v3;
	s24 =	sadd.s32 $0xFFFFFFF8, s24;
	(v2sf) =	vpush v2, $0xF;
	v2, _, _ =	vpop (xrf2);
	s31 =	spop (v2sf);
	p3 =	slt.f32 s1, s19  }
0xff: {  	v3 =	vld [tilespmem:s23+$0x0];
	(v2sf) =	vpush v2, $0xF;
	v2, _, _ =	vpop (xrf2);
	(xrf2) =	vadd.scan.msk.f32 $0xffff, v4;
	s21 =	smov.u32 @p5 s6;
	s20 =	smov.u32 @p5 s5;
	s5 =	sadd.f32 s29, s1  }
0x100: {  	_ =	sdelay $0x1  }
0x101: {  	p0 =	slt.f32 s5, s19;
	_ =	sdelay $0x1  }
0x102: {  	s20 =	smov.u32 @p1 s16;
	s21 =	smov.u32 @p1 s14;
	s8 =	simm.s32 @!p0 $0x0  }
0x103: {  	p2 =	por !p2, !p4;
	s6 =	sadd.f32 s31, s5;
	s8 =	simm.s32 @p0 $0x1  }
0x104: {  	s18 =	smov.u32 @p1 s28;
	s17 =	sadd.s32 $0x2, s25;
	[smem:$0x7F9] =	sst s8  }
0x105: {  	p6 =	sge.f32 s5, s19;
	p5 =	por !p2, !p2;
	s30 =	sld [smem:$0x7F9];
	[tilespmem:s22+$0x0] =	vst v0;
	v4, _, _ =	vpop (xrf2);
	(xrf2) =	vadd.scan.msk.f32 $0xffff, v3  }
0x106: {  	s21 =	smov.u32 @p5 s0;
	s20 =	smov.u32 @p5 s1;
	s1 =	sadd.s32 $0x3, s25;
	[tilespmem:s23+$0x0] =	vst v0  }
0x107: {  	s22 =	simm.s32 $0x0;
	s28 =	rddreg [dreg:$0x4];
	s8 =	spop (v2sf)  }
0x108: {  	(v2sf) =	vpush v4, $0xF;
	[tilespmem:s22], [sflag:$0x1] =	stream.linear.gather [hbm4b:s28+s22], $0x4000, $0x38;
	[tilespmem:$0x18100] =	vst v63  }
0x109: {  	p4 =	sge.f32 s6, s19;
	p3 =	por !p3, !p6;
	s9 =	sadd.f32 s8, s6  }
0x10a: {  	s18 =	smov.u32 @p5 s1;
	p2 =	por !p3, !p3;
	(v2sf) =	vpush v2, $0xF;
	s0 =	spop (v2sf)  }
0x10b: {  	p0 =	slt.f32 s6, s19;
	s20 =	smov.u32 @p2 s5;
	v2, _, _ =	vpop (xrf2);
	s14 =	sadd.f32 s0, s9  }
0x10c: {  	s21 =	smov.u32 @p2 s29;
	s18 =	smov.u32 @p2 s17;
	(v2sf) =	vpush v2, $0xF;
	p6 =	sge.f32 s9, s19  }
0x10d: {  	s17 =	sadd.s32 $0x5, s24;
	v2, _, _ =	vpop (xrf2);
	p2 =	slt.f32 s9, s19;
	p1 =	sge.f32 s14, s19  }
0x10e: {  	s5 =	spop (v2sf);
	p0 =	por !p0, !p6;
	(v2sf) =	vpush v2, $0xF;
	p6 =	seq.s32 s30, $0x1  }
0x10f: {  	p3 =	slt.f32 s14, s19;
	s15 =	sadd.f32 s5, s14;
	p5 =	por !p6, !p4;
	v2, _, _ =	vpop (xrf2)  }
0x110: {  	s1 =	spop (v2sf);
	p6 =	por !p5, !p5;
	p5 =	por !p0, !p0;
	(v2sf) =	vpush v2, $0xF  }
0x111: {  	p1 =	por !p2, !p1;
	p4 =	sge.f32 s15, s19;
	s16 =	sadd.f32 s1, s15  }
0x112: {  	s21 =	smov.u32 @p6 s31;
	s20 =	smov.u32 @p6 s6;
	s6 =	sadd.s32 $0x1, s25  }
0x113: {  	p1 =	por !p1, !p1;
	s21 =	smov.u32 @p5 s8;
	s18 =	smov.u32 @p6 s6  }
0x114: {  	s20 =	smov.u32 @p5 s9;
	p6 =	slt.f32 s15, s19;
	s9 =	sadd.s32 $0x7, s24  }
0x115: {  	p0 =	sge.f32 s16, s19;
	s18 =	smov.u32 @p5 s25;
	p3 =	por !p3, !p4  }
0x116: {  	s21 =	smov.u32 @p1 s0;
	p4 =	slt.f32 s16, s19;
	s20 =	smov.u32 @p1 s14  }
0x117: {  	p3 =	por !p3, !p3;
	s18 =	smov.u32 @p1 s9;
	s6 =	spop (v2sf)  }
0x118: {  	s9 =	sadd.s32 $0x6, s24;
	s21 =	smov.u32 @p3 s5;
	s8 =	sadd.f32 s6, s16  }
0x119: {  	s18 =	smov.u32 @p3 s9;
	p0 =	por !p6, !p0;
	s0 =	spop (v2sf)  }
0x11a: {  	s20 =	smov.u32 @p3 s15;
	p0 =	por !p0, !p0;
	s25 =	sadd.f32 s0, s8  }
0x11b: {  	s15 =	sadd.s32 $0x4, s24;
	s18 =	smov.u32 @p0 s17;
	s5 =	spop (v2sf)  }
0x11c: {  	s21 =	smov.u32 @p0 s1;
	p6 =	sge.f32 s8, s19;
	s14 =	sadd.f32 s5, s25  }
0x11d: {  	s20 =	smov.u32 @p0 s16;
	p1 =	slt.f32 s8, s19;
	s9 =	spop (v2sf)  }
0x11e: {  	p3 =	sge.f32 s25, s19;
	p2 =	por !p4, !p6;
	s1 =	sadd.f32 s9, s14  }
0x11f: {  	p5 =	slt.f32 s25, s19;
	p0 =	por !p2, !p2;
	s16 =	spop (v2sf)  }
0x120: {  	p6 =	sge.f32 s14, s19;
	p1 =	por !p1, !p3;
	s17 =	sadd.f32 s16, s1  }
0x121: {  	s20 =	smov.u32 @p0 s8;
	s21 =	smov.u32 @p0 s6;
	p1 =	por !p1, !p1  }
0x122: {  	p2 =	por !p5, !p6;
	p4 =	slt.f32 s1, s19;
	p6 =	sge.f32 s17, s19  }
0x123: {  	s18 =	smov.u32 @p0 s15;
	p5 =	slt.f32 s14, s19;
	s21 =	smov.u32 @p1 s0  }
0x124: {  	s0 =	sadd.s32 $0x3, s24;
	p3 =	por !p4, !p6;
	p6 =	sge.f32 s1, s19  }
0x125: {  	s20 =	smov.u32 @p1 s25;
	p2 =	por !p2, !p2;
	s18 =	smov.u32 @p1 s0  }
0x126: {  	s0 =	sadd.s32 $0x2, s24;
	s20 =	smov.u32 @p2 s14;
	p0 =	por !p5, !p6  }
0x127: {  	s18 =	smov.u32 @p2 s0;
	s0 =	sadd.s32 $0x1, s24;
	p0 =	por !p0, !p0  }
0x128: {  	s21 =	smov.u32 @p2 s5;
	p1 =	por !p3, !p3;
	s18 =	smov.u32 @p0 s0  }
0x129: {  	s21 =	smov.u32 @p0 s9;
	s20 =	smov.u32 @p0 s1;
	s18 =	smov.u32 @p1 s24  }
0x12a: {  	s21 =	smov.u32 @p1 s16;
	s20 =	smov.u32 @p1 s17;
	v2 =	vmov s18  }
.LBB2_12:
0x12b: {  	s23 =	sshll.u32 s22, $0xF  }
0x12c: {  	s0 =	sor.u32 s23, s4  }
0x12d: {  	_ =	swait.ge [sflag:s10], $0x4000;
	s0 =	sshrl.u32 s0, $0x3  }
0x12e: {  	[sflag:s10] =	ssyncset.done $0x0;
	s0 =	sadd.s32 s0, s3  }
0x12f: {  	s31 =	simm.s32 $0x40;
	[sflag:s10] =	ssyncadd.s32 $0xFFFFC000;
	s0 =	sadd.s32 $0x800, s0  }
0x130: {  	[tilespmem:s11], [sflag:$0x2] =	stream.linear.gather [hbm4b:s0+s2], $0x4000, $0x38;
	[tilespmem:$0x18100] =	vst v63  }
0x131: {  	v3 =	vld [tilespmem:s31+$0x30]  }
0x132: {  	v4 =	vld [tilespmem:s31+$0xFFFFFFD0]  }
0x133: {  	v5 =	vld [tilespmem:s31+$0xFFFFFFE0]  }
0x134: {  	v6 =	vld [tilespmem:s31+$0xFFFFFFF0]  }
0x135: {  	v7 =	vld [tilespmem:s31+$0x0]  }
0x136: {  	v12 =	vld [tilespmem:s31+$0x20]  }
0x137: {  	v13 =	vld [tilespmem:s31+$0xFFFFFFC0]  }
0x138: {  	v8 =	vld [tilespmem:s31+$0x10];
	v9 =	vmul.f32 $1.442695020e+00, v3  }
0x139: {  	vm1 =	vlt.f32 v4, $0.0e+00;
	v10 =	vxor.u32 $0xFFFFFFFF, v4;
	v11 =	vmul.f32 $1.442695020e+00, v4  }
0x13a: {  	v4 =	vxor.u32 $0x80000000, v4;
	v14 =	vmul.f32 $1.442695020e+00, v5;
	v15 =	vmul.f32 $1.442695020e+00, v6  }
0x13b: {  	vm0 =	vlt.f32 v3, $0.0e+00;
	v16 =	vmul.f32 $1.442695020e+00, v7;
	v18 =	vmul.f32 $1.442695020e+00, v12  }
0x13c: {  	vm2 =	vlt.f32 v13, $0.0e+00;
	vm3 =	vlt.f32 v5, $0.0e+00;
	vm4 =	vlt.f32 v6, $0.0e+00  }
0x13d: {  	vm5 =	vlt.f32 v7, $0.0e+00;
	vm6 =	vlt.f32 v8, $0.0e+00;
	vm15 =	vlt.f32 v12, $0.0e+00  }
0x13e: {  	(erf) = vpow2.f32 v9;
	v9 =	vxor.u32 $0xFFFFFFFF, v3;
	v3 =	vxor.u32 $0x80000000, v3  }
0x13f: {  	v3 =	vsel vm0, v9, v3;
	v9 =	vmul.f32 $1.442695020e+00, v8;
	(erf) = vpow2.f32 v11  }
0x140: {  	v11 =	vxor.u32 $0x80000000, v13;
	v17 =	vshrl.u32 v3, $0x14;
	v3 =	vshrl.u32 v3, $0x4  }
0x141: {  	(erf) = vpow2.f32 v14;
	vm14 =	veq.s32 v17, v2;
	v17 =	vmul.f32 $1.442695020e+00, v13  }
0x142: {  	v14 =	vxor.u32 $0xFFFFFFFF, v6;
	v6 =	vxor.u32 $0x80000000, v6;
	v3 =	vand.u32 $0xFFF0, v3  }
0x143: {  	v22 =	vsel vm4, v14, v6;
	v19 =	vor.u32 v1, v3;
	(erf) = vpow2.f32 v17  }
0x144: {  	v3 =	vxor.u32 $0xFFFFFFFF, v13;
	v13 =	vxor.u32 $0xFFFFFFFF, v5;
	(erf) = vpow2.f32 v15  }
0x145: {  	v5 =	vxor.u32 $0x80000000, v5;
	v11 =	vsel vm2, v3, v11;
	(erf) = vpow2.f32 v16  }
0x146: {  	v17 =	vsel vm1, v10, v4;
	v15 =	vxor.u32 $0xFFFFFFFF, v8;
	(erf) = vpow2.f32 v9  }
0x147: {  	v8 =	vxor.u32 $0x80000000, v8;
	v6 =	vshrl.u32 v11, $0x4;
	(erf) = vpow2.f32 v18  }
0x148: {  	v11 =	vshrl.u32 v11, $0x14;
	v16 =	vxor.u32 $0xFFFFFFFF, v12;
	v12 =	vxor.u32 $0x80000000, v12  }
0x149: {  	v23 =	vsel vm6, v15, v8;
	v21 =	vand.u32 $0xFFF0, v6;
	v15 =	vshrl.u32 v22, $0x14;
	v20 =	vpop (erf)  }
0x14a: {  	v9 =	vxor.u32 $0xFFFFFFFF, v7;
	v7 =	vxor.u32 $0x80000000, v7;
	v24 =	vsel vm15, v16, v12;
	v3 =	vpop (erf)  }
0x14b: {  	v16 =	vshrl.u32 v22, $0x4;
	v26 =	vshrl.u32 v23, $0x4;
	v12 =	vshrl.u32 v17, $0x14;
	v4 =	vpop (erf)  }
0x14c: {  	v23 =	vshrl.u32 v23, $0x14;
	v9 =	vsel vm5, v9, v7;
	v7 =	vshrl.u32 v17, $0x4;
	v8 =	vpop (erf)  }
0x14d: {  	v18 =	vsel vm3, v13, v5;
	v10 =	vshrl.u32 v24, $0x4;
	v22 =	vand.u32 $0xFFF0, v16;
	v5 =	vpop (erf)  }
0x14e: {  	v14 =	vshrl.u32 v18, $0x4;
	v25 =	vshrl.u32 v9, $0x4;
	v13 =	vand.u32 $0xFFF0, v7;
	v6 =	vpop (erf)  }
0x14f: {  	v18 =	vshrl.u32 v18, $0x14;
	v16 =	vshrl.u32 v9, $0x14;
	[tilespmem:v19+s12+$0x0] =	vst.idx.add.f32.msk vm14, v20;
	v19 =	vand.u32 $0xFFF0, v26;
	v7 =	vpop (erf)  }
0x150: {  	s24 =	simm.s32 $0x0;
	s0 =	simm.s32 $0xC0;
	v20 =	vshrl.u32 v24, $0x14;
	v14 =	vand.u32 $0xFFF0, v14;
	v17 =	vand.u32 $0xFFF0, v25;
	v9 =	vpop (erf)  }
.LBB2_13:
0x151: {  	v24 =	vld [tilespmem:s0+$0x30];
	s24 =	sadd.s32 $0x8, s24;
	vm6 =	veq.s32 v11, v2;
	v11 =	vor.u32 v1, v21;
	v10 =	vand.u32 $0xFFF0, v10  }
0x152: {  	vm7 =	veq.s32 v12, v2;
	v12 =	vor.u32 v1, v13;
	vm5 =	veq.s32 v18, v2;
	v21 =	vld [tilespmem:s0+$0xFFFFFFD0];
	p0 =	slt.u32 s24, $0x3F8  }
0x153: {  	v14 =	vor.u32 v1, v14;
	vm4 =	veq.s32 v15, v2;
	v15 =	vor.u32 v1, v22;
	v13 =	vld [tilespmem:s0+$0xFFFFFFE0]  }
0x154: {  	vm3 =	veq.s32 v16, v2;
	v16 =	vor.u32 v1, v17;
	vm2 =	veq.s32 v23, v2;
	v18 =	vld [tilespmem:s0+$0xFFFFFFF0]  }
0x155: {  	v19 =	vor.u32 v1, v19;
	vm1 =	veq.s32 v20, v2;
	v10 =	vor.u32 v1, v10;
	v17 =	vld [tilespmem:s0+$0x0]  }
0x156: {  	v20 =	vld [tilespmem:s0+$0x10];
	v22 =	vmul.f32 $1.442695020e+00, v24  }
0x157: {  	vm0 =	vlt.f32 v21, $0.0e+00;
	v23 =	vxor.u32 $0xFFFFFFFF, v21;
	v25 =	vmul.f32 $1.442695020e+00, v21;
	v26 =	vld [tilespmem:s0+$0x20]  }
0x158: {  	v21 =	vxor.u32 $0x80000000, v21;
	v27 =	vld [tilespmem:s0+$0xFFFFFFC0];
	v28 =	vmul.f32 $1.442695020e+00, v13;
	(erf) = vpow2.f32 v22  }
0x159: {  	vm8 =	vlt.f32 v24, $0.0e+00;
	v22 =	vxor.u32 $0xFFFFFFFF, v24;
	v24 =	vxor.u32 $0x80000000, v24;
	[tilespmem:v11+s12+$0x0] =	vst.idx.add.f32.msk vm6, v8  }
0x15a: {  	v8 =	vmul.f32 $1.442695020e+00, v18;
	v22 =	vsel vm8, v22, v24;
	v11 =	vmul.f32 $1.442695020e+00, v17;
	[tilespmem:v12+s12+$0x0] =	vst.idx.add.f32.msk vm7, v3  }
0x15b: {  	v12 =	vshrl.u32 v22, $0x14;
	v22 =	vshrl.u32 v22, $0x4;
	v3 =	vmul.f32 $1.442695020e+00, v20;
	[tilespmem:v14+s12+$0x0] =	vst.idx.add.f32.msk vm5, v4  }
0x15c: {  	vm5 =	veq.s32 v12, v2;
	v12 =	vand.u32 $0xFFF0, v22;
	v4 =	vmul.f32 $1.442695020e+00, v26;
	[tilespmem:v15+s12+$0x0] =	vst.idx.add.f32.msk vm4, v5  }
0x15d: {  	v12 =	vor.u32 v1, v12;
	v5 =	vmul.f32 $1.442695020e+00, v27;
	(erf) = vpow2.f32 v25;
	[tilespmem:v16+s12+$0x0] =	vst.idx.add.f32.msk vm3, v6  }
0x15e: {  	vm3 =	vlt.f32 v27, $0.0e+00;
	v6 =	vxor.u32 $0xFFFFFFFF, v27;
	(erf) = vpow2.f32 v28;
	[tilespmem:v19+s12+$0x0] =	vst.idx.add.f32.msk vm2, v7  }
0x15f: {  	v7 =	vxor.u32 $0x80000000, v27;
	vm2 =	vlt.f32 v13, $0.0e+00;
	(erf) = vpow2.f32 v5;
	[tilespmem:v10+s12+$0x0] =	vst.idx.add.f32.msk vm1, v9  }
0x160: {  	v5 =	vxor.u32 $0xFFFFFFFF, v13;
	v9 =	vxor.u32 $0x80000000, v13;
	(erf) = vpow2.f32 v8  }
0x161: {  	vm1 =	vlt.f32 v18, $0.0e+00;
	v8 =	vxor.u32 $0xFFFFFFFF, v18;
	(erf) = vpow2.f32 v11;
	v10 =	vpop (erf)  }
0x162: {  	vm4 =	vlt.f32 v17, $0.0e+00;
	v11 =	vxor.u32 $0x80000000, v18;
	[tilespmem:v12+s12+$0x0] =	vst.idx.add.f32.msk vm5, v10;
	(erf) = vpow2.f32 v3  }
0x163: {  	v10 =	vxor.u32 $0xFFFFFFFF, v17;
	v12 =	vxor.u32 $0x80000000, v17;
	(erf) = vpow2.f32 v4  }
0x164: {  	v13 =	vxor.u32 $0x80000000, v20;
	vm5 =	vlt.f32 v20, $0.0e+00;
	v4 =	vxor.u32 $0xFFFFFFFF, v20  }
0x165: {  	vm6 =	vlt.f32 v26, $0.0e+00;
	v14 =	vxor.u32 $0xFFFFFFFF, v26;
	v15 =	vxor.u32 $0x80000000, v26  }
0x166: {  	v6 =	vsel vm3, v6, v7;
	v7 =	vsel vm0, v23, v21;
	v9 =	vsel vm2, v5, v9;
	v3 =	vpop (erf)  }
0x167: {  	v16 =	vsel vm1, v8, v11;
	v17 =	vsel vm4, v10, v12;
	v19 =	vsel vm5, v4, v13;
	v4 =	vpop (erf)  }
0x168: {  	v12 =	vshrl.u32 v6, $0x4;
	v20 =	vsel vm6, v14, v15;
	v13 =	vshrl.u32 v7, $0x4;
	v8 =	vpop (erf)  }
0x169: {  	v14 =	vshrl.u32 v9, $0x4;
	v22 =	vshrl.u32 v16, $0x4;
	v23 =	vshrl.u32 v17, $0x4;
	v5 =	vpop (erf)  }
.Ltmp5:
0x16a: {  	v11 =	vshrl.u32 v6, $0x14;
	v10 =	vshrl.u32 v20, $0x4;
	v24 =	vshrl.u32 v19, $0x4;
	v6 =	vpop (erf);
	(pc) =	sbr.rel @p0 .LBB2_13-.Ltmp5, $4  }
0x16b: {  	v21 =	vand.u32 $0xFFF0, v12;
	v12 =	vshrl.u32 v7, $0x14;
	v13 =	vand.u32 $0xFFF0, v13;
	v7 =	vpop (erf)  }
0x16c: {  	v18 =	vshrl.u32 v9, $0x14;
	v15 =	vshrl.u32 v16, $0x14;
	v14 =	vand.u32 $0xFFF0, v14;
	v9 =	vpop (erf)  }
0x16d: {  	v22 =	vand.u32 $0xFFF0, v22;
	v16 =	vshrl.u32 v17, $0x14;
	v17 =	vand.u32 $0xFFF0, v23  }
0x16e: {  	s0 =	sadd.s32 $0x80, s0;
	v20 =	vshrl.u32 v20, $0x14;
	v23 =	vshrl.u32 v19, $0x14;
	v19 =	vand.u32 $0xFFF0, v24  }
0x16f: {  	vm0 =	veq.s32 v11, v2  }
0x170: {  	v11 =	vor.u32 v1, v21;
	vm1 =	veq.s32 v12, v2  }
0x171: {  	v12 =	vor.u32 v1, v13;
	vm2 =	veq.s32 v18, v2  }
0x172: {  	v13 =	vor.u32 v1, v14;
	vm3 =	veq.s32 v15, v2  }
0x173: {  	v14 =	vor.u32 v1, v22;
	vm4 =	veq.s32 v16, v2  }
0x174: {  	v15 =	vor.u32 v1, v17;
	vm5 =	veq.s32 v23, v2  }
0x175: {  	v10 =	vand.u32 $0xFFF0, v10;
	v16 =	vor.u32 v1, v19;
	vm6 =	veq.s32 v20, v2;
	[tilespmem:v11+s12+$0x0] =	vst.idx.add.f32.msk vm0, v8  }
0x176: {  	v8 =	vor.u32 v1, v10;
	[tilespmem:v12+s12+$0x0] =	vst.idx.add.f32.msk vm1, v3  }
0x177: {  	[tilespmem:v13+s12+$0x0] =	vst.idx.add.f32.msk vm2, v4  }
0x178: {  	[tilespmem:v14+s12+$0x0] =	vst.idx.add.f32.msk vm3, v5  }
0x179: {  	[tilespmem:v15+s12+$0x0] =	vst.idx.add.f32.msk vm4, v6  }
0x17a: {  	[tilespmem:v16+s12+$0x0] =	vst.idx.add.f32.msk vm5, v7  }
0x17b: {  	p0 =	seq.s32 s22, $0x1F;
	[tilespmem:v8+s12+$0x0] =	vst.idx.add.f32.msk vm6, v9  }
0x17c: {  	s0 =	sadd.s32 @!p0 s23, s7;
	_ =	swait.ge [sflag:s13], $0x4000  }
0x17d: {  	s31 =	simm.s32 $0x4070;
	s0 =	sshrl.u32 @!p0 s0, $0x3;
	[sflag:s13] =	ssyncset.done $0x0  }
0x17e: {  	s1 =	simm.s32 @!p0 $0x0;
	s0 =	sadd.s32 @!p0 s3, s0;
	[sflag:s13] =	ssyncadd.s32 $0xFFFFC000  }
0x17f: {  	[tilespmem:s1], [sflag:$0x1] =	stream.linear.gather @!p0 [hbm4b:s0+s1], $0x4000, $0x38;
	[tilespmem:$0x18100] =	vst v63  }
0x180: {  	v3 =	vld [tilespmem:s31+$0x0]  }
0x181: {  	v4 =	vld [tilespmem:s31+$0xFFFFFFA0]  }
0x182: {  	v5 =	vld [tilespmem:s31+$0xFFFFFFB0]  }
0x183: {  	v6 =	vld [tilespmem:s31+$0xFFFFFFC0]  }
0x184: {  	v7 =	vld [tilespmem:s31+$0xFFFFFFD0]  }
0x185: {  	v12 =	vld [tilespmem:s31+$0xFFFFFFF0]  }
0x186: {  	v13 =	vld [tilespmem:s31+$0xFFFFFF90]  }
0x187: {  	v8 =	vld [tilespmem:s31+$0xFFFFFFE0];
	v9 =	vmul.f32 $1.442695020e+00, v3  }
0x188: {  	vm1 =	vlt.f32 v4, $0.0e+00;
	v10 =	vxor.u32 $0xFFFFFFFF, v4;
	v11 =	vmul.f32 $1.442695020e+00, v4  }
0x189: {  	v4 =	vxor.u32 $0x80000000, v4;
	v14 =	vmul.f32 $1.442695020e+00, v5;
	v15 =	vmul.f32 $1.442695020e+00, v6  }
0x18a: {  	vm8 =	vlt.f32 v3, $0.0e+00;
	v16 =	vmul.f32 $1.442695020e+00, v7;
	v18 =	vmul.f32 $1.442695020e+00, v12  }
0x18b: {  	vm10 =	vlt.f32 v13, $0.0e+00;
	vm11 =	vlt.f32 v5, $0.0e+00;
	vm12 =	vlt.f32 v6, $0.0e+00  }
0x18c: {  	vm13 =	vlt.f32 v7, $0.0e+00;
	vm14 =	vlt.f32 v8, $0.0e+00;
	vm15 =	vlt.f32 v12, $0.0e+00  }
0x18d: {  	(erf) = vpow2.f32 v9;
	v9 =	vxor.u32 $0xFFFFFFFF, v3;
	v3 =	vxor.u32 $0x80000000, v3  }
0x18e: {  	v3 =	vsel vm8, v9, v3;
	v9 =	vmul.f32 $1.442695020e+00, v8;
	(erf) = vpow2.f32 v11  }
0x18f: {  	v11 =	vxor.u32 $0x80000000, v13;
	v17 =	vshrl.u32 v3, $0x14;
	v3 =	vshrl.u32 v3, $0x4  }
0x190: {  	(erf) = vpow2.f32 v14;
	vm9 =	veq.s32 v17, v2;
	v17 =	vmul.f32 $1.442695020e+00, v13  }
0x191: {  	v14 =	vxor.u32 $0xFFFFFFFF, v6;
	v6 =	vxor.u32 $0x80000000, v6;
	v3 =	vand.u32 $0xFFF0, v3  }
0x192: {  	v22 =	vsel vm12, v14, v6;
	v19 =	vor.u32 v1, v3;
	(erf) = vpow2.f32 v17  }
0x193: {  	v3 =	vxor.u32 $0xFFFFFFFF, v13;
	v13 =	vxor.u32 $0xFFFFFFFF, v5;
	(erf) = vpow2.f32 v15  }
0x194: {  	v5 =	vxor.u32 $0x80000000, v5;
	v11 =	vsel vm10, v3, v11;
	(erf) = vpow2.f32 v16  }
0x195: {  	v17 =	vsel vm1, v10, v4;
	v15 =	vxor.u32 $0xFFFFFFFF, v8;
	(erf) = vpow2.f32 v9  }
0x196: {  	v8 =	vxor.u32 $0x80000000, v8;
	v6 =	vshrl.u32 v11, $0x4;
	(erf) = vpow2.f32 v18  }
0x197: {  	v11 =	vshrl.u32 v11, $0x14;
	v16 =	vxor.u32 $0xFFFFFFFF, v12;
	v12 =	vxor.u32 $0x80000000, v12  }
0x198: {  	v24 =	vsel vm14, v15, v8;
	v21 =	vand.u32 $0xFFF0, v6;
	v9 =	vxor.u32 $0xFFFFFFFF, v7;
	v20 =	vpop (erf)  }
0x199: {  	v15 =	vshrl.u32 v22, $0x14;
	v7 =	vxor.u32 $0x80000000, v7;
	v25 =	vsel vm15, v16, v12;
	v3 =	vpop (erf)  }
0x19a: {  	v16 =	vshrl.u32 v22, $0x4;
	v27 =	vshrl.u32 v24, $0x4;
	v12 =	vshrl.u32 v17, $0x14;
	v4 =	vpop (erf)  }
0x19b: {  	v18 =	vsel vm11, v13, v5;
	v23 =	vsel vm13, v9, v7;
	v7 =	vshrl.u32 v17, $0x4;
	v9 =	vpop (erf)  }
0x19c: {  	v10 =	vshrl.u32 v25, $0x4;
	v22 =	vand.u32 $0xFFF0, v16;
	v8 =	vshrl.u32 v18, $0x4;
	v5 =	vpop (erf)  }
0x19d: {  	v26 =	vshrl.u32 v23, $0x4;
	v13 =	vand.u32 $0xFFF0, v7;
	v18 =	vshrl.u32 v18, $0x14;
	v6 =	vpop (erf)  }
0x19e: {  	v16 =	vshrl.u32 v23, $0x14;
	[tilespmem:v19+s12+$0x0] =	vst.idx.add.f32.msk vm9, v20;
	v23 =	vshrl.u32 v24, $0x14;
	v19 =	vand.u32 $0xFFF0, v27;
	v7 =	vpop (erf)  }
0x19f: {  	s23 =	simm.s32 $0x0;
	s0 =	simm.s32 $0x40F0;
	v20 =	vshrl.u32 v25, $0x14;
	v14 =	vand.u32 $0xFFF0, v8;
	v17 =	vand.u32 $0xFFF0, v26;
	v8 =	vpop (erf)  }
.LBB2_15:
0x1a0: {  	v24 =	vld [tilespmem:s0+$0x0];
	s23 =	sadd.s32 $0x8, s23;
	vm6 =	veq.s32 v11, v2;
	v11 =	vor.u32 v1, v21;
	v10 =	vand.u32 $0xFFF0, v10  }
0x1a1: {  	vm7 =	veq.s32 v12, v2;
	v12 =	vor.u32 v1, v13;
	vm5 =	veq.s32 v18, v2;
	v21 =	vld [tilespmem:s0+$0xFFFFFFA0];
	p0 =	slt.u32 s23, $0x3F8  }
0x1a2: {  	v14 =	vor.u32 v1, v14;
	vm4 =	veq.s32 v15, v2;
	v15 =	vor.u32 v1, v22;
	v13 =	vld [tilespmem:s0+$0xFFFFFFB0]  }
0x1a3: {  	vm3 =	veq.s32 v16, v2;
	v16 =	vor.u32 v1, v17;
	vm2 =	veq.s32 v23, v2;
	v18 =	vld [tilespmem:s0+$0xFFFFFFC0]  }
0x1a4: {  	v19 =	vor.u32 v1, v19;
	vm1 =	veq.s32 v20, v2;
	v10 =	vor.u32 v1, v10;
	v17 =	vld [tilespmem:s0+$0xFFFFFFD0]  }
0x1a5: {  	v20 =	vld [tilespmem:s0+$0xFFFFFFE0];
	v22 =	vmul.f32 $1.442695020e+00, v24  }
0x1a6: {  	vm0 =	vlt.f32 v21, $0.0e+00;
	v23 =	vxor.u32 $0xFFFFFFFF, v21;
	v25 =	vmul.f32 $1.442695020e+00, v21;
	v26 =	vld [tilespmem:s0+$0xFFFFFFF0]  }
0x1a7: {  	v21 =	vxor.u32 $0x80000000, v21;
	v27 =	vld [tilespmem:s0+$0xFFFFFF90];
	v28 =	vmul.f32 $1.442695020e+00, v13;
	(erf) = vpow2.f32 v22  }
0x1a8: {  	vm8 =	vlt.f32 v24, $0.0e+00;
	v22 =	vxor.u32 $0xFFFFFFFF, v24;
	v24 =	vxor.u32 $0x80000000, v24;
	[tilespmem:v11+s12+$0x0] =	vst.idx.add.f32.msk vm6, v9  }
0x1a9: {  	v9 =	vmul.f32 $1.442695020e+00, v18;
	v22 =	vsel vm8, v22, v24;
	v11 =	vmul.f32 $1.442695020e+00, v17;
	[tilespmem:v12+s12+$0x0] =	vst.idx.add.f32.msk vm7, v3  }
0x1aa: {  	v12 =	vshrl.u32 v22, $0x14;
	v22 =	vshrl.u32 v22, $0x4;
	v3 =	vmul.f32 $1.442695020e+00, v20;
	[tilespmem:v14+s12+$0x0] =	vst.idx.add.f32.msk vm5, v4  }
0x1ab: {  	vm5 =	veq.s32 v12, v2;
	v12 =	vand.u32 $0xFFF0, v22;
	v4 =	vmul.f32 $1.442695020e+00, v26;
	[tilespmem:v15+s12+$0x0] =	vst.idx.add.f32.msk vm4, v5  }
0x1ac: {  	v12 =	vor.u32 v1, v12;
	v5 =	vmul.f32 $1.442695020e+00, v27;
	(erf) = vpow2.f32 v25;
	[tilespmem:v16+s12+$0x0] =	vst.idx.add.f32.msk vm3, v6  }
0x1ad: {  	vm3 =	vlt.f32 v27, $0.0e+00;
	v6 =	vxor.u32 $0xFFFFFFFF, v27;
	(erf) = vpow2.f32 v28;
	[tilespmem:v19+s12+$0x0] =	vst.idx.add.f32.msk vm2, v7  }
0x1ae: {  	v7 =	vxor.u32 $0x80000000, v27;
	vm2 =	vlt.f32 v13, $0.0e+00;
	(erf) = vpow2.f32 v5;
	[tilespmem:v10+s12+$0x0] =	vst.idx.add.f32.msk vm1, v8  }
0x1af: {  	v5 =	vxor.u32 $0xFFFFFFFF, v13;
	v8 =	vxor.u32 $0x80000000, v13;
	(erf) = vpow2.f32 v9  }
0x1b0: {  	vm1 =	vlt.f32 v18, $0.0e+00;
	v9 =	vxor.u32 $0xFFFFFFFF, v18;
	(erf) = vpow2.f32 v11;
	v10 =	vpop (erf)  }
0x1b1: {  	vm4 =	vlt.f32 v17, $0.0e+00;
	v11 =	vxor.u32 $0x80000000, v18;
	[tilespmem:v12+s12+$0x0] =	vst.idx.add.f32.msk vm5, v10;
	(erf) = vpow2.f32 v3  }
0x1b2: {  	v10 =	vxor.u32 $0xFFFFFFFF, v17;
	v12 =	vxor.u32 $0x80000000, v17;
	(erf) = vpow2.f32 v4  }
0x1b3: {  	v13 =	vxor.u32 $0x80000000, v20;
	vm5 =	vlt.f32 v20, $0.0e+00;
	v4 =	vxor.u32 $0xFFFFFFFF, v20  }
0x1b4: {  	vm6 =	vlt.f32 v26, $0.0e+00;
	v14 =	vxor.u32 $0xFFFFFFFF, v26;
	v15 =	vxor.u32 $0x80000000, v26  }
0x1b5: {  	v6 =	vsel vm3, v6, v7;
	v7 =	vsel vm0, v23, v21;
	v8 =	vsel vm2, v5, v8;
	v3 =	vpop (erf)  }
0x1b6: {  	v16 =	vsel vm1, v9, v11;
	v17 =	vsel vm4, v10, v12;
	v19 =	vsel vm5, v4, v13;
	v4 =	vpop (erf)  }
0x1b7: {  	v12 =	vshrl.u32 v6, $0x4;
	v20 =	vsel vm6, v14, v15;
	v13 =	vshrl.u32 v7, $0x4;
	v9 =	vpop (erf)  }
0x1b8: {  	v14 =	vshrl.u32 v8, $0x4;
	v22 =	vshrl.u32 v16, $0x4;
	v23 =	vshrl.u32 v17, $0x4;
	v5 =	vpop (erf)  }
.Ltmp6:
0x1b9: {  	v11 =	vshrl.u32 v6, $0x14;
	v10 =	vshrl.u32 v20, $0x4;
	v24 =	vshrl.u32 v19, $0x4;
	v6 =	vpop (erf);
	(pc) =	sbr.rel @p0 .LBB2_15-.Ltmp6, $4  }
0x1ba: {  	v21 =	vand.u32 $0xFFF0, v12;
	v12 =	vshrl.u32 v7, $0x14;
	v13 =	vand.u32 $0xFFF0, v13;
	v7 =	vpop (erf)  }
0x1bb: {  	v18 =	vshrl.u32 v8, $0x14;
	v15 =	vshrl.u32 v16, $0x14;
	v14 =	vand.u32 $0xFFF0, v14;
	v8 =	vpop (erf)  }
0x1bc: {  	v22 =	vand.u32 $0xFFF0, v22;
	v16 =	vshrl.u32 v17, $0x14;
	v17 =	vand.u32 $0xFFF0, v23  }
0x1bd: {  	s0 =	sadd.s32 $0x80, s0;
	v20 =	vshrl.u32 v20, $0x14;
	v23 =	vshrl.u32 v19, $0x14;
	v19 =	vand.u32 $0xFFF0, v24  }
0x1be: {  	vm0 =	veq.s32 v11, v2  }
0x1bf: {  	v57 =	vor.u32 v1, v21;
	vm1 =	veq.s32 v12, v2  }
0x1c0: {  	v58 =	vor.u32 v1, v13;
	vm2 =	veq.s32 v18, v2  }
0x1c1: {  	v59 =	vor.u32 v1, v14;
	vm3 =	veq.s32 v15, v2  }
0x1c2: {  	v60 =	vor.u32 v1, v22;
	vm4 =	veq.s32 v16, v2  }
0x1c3: {  	v61 =	vor.u32 v1, v17;
	vm5 =	veq.s32 v23, v2  }
0x1c4: {  	v10 =	vand.u32 $0xFFF0, v10;
	v62 =	vor.u32 v1, v19;
	vm6 =	veq.s32 v20, v2;
	s22 =	sadd.s32 $0x1, s22;
	[tilespmem:v57+s12+$0x0] =	vst.idx.add.f32.msk vm0, v9  }
0x1c5: {  	v63 =	vor.u32 v1, v10;
	p0 =	sne.s32 s22, $0x20;
	[tilespmem:v58+s12+$0x0] =	vst.idx.add.f32.msk vm1, v3  }
.Ltmp7:
0x1c6: {  	[tilespmem:v59+s12+$0x0] =	vst.idx.add.f32.msk vm2, v4;
	(pc) =	sbr.rel @p0 .LBB2_12-.Ltmp7, $4  }
0x1c7: {  	[tilespmem:v60+s12+$0x0] =	vst.idx.add.f32.msk vm3, v5  }
0x1c8: {  	[tilespmem:v61+s12+$0x0] =	vst.idx.add.f32.msk vm4, v6  }
0x1c9: {  	[tilespmem:v62+s12+$0x0] =	vst.idx.add.f32.msk vm5, v7  }
0x1ca: {  	[tilespmem:v63+s12+$0x0] =	vst.idx.add.f32.msk vm6, v8  }
0x1cb: {  	s0 =	simm.s32 $0x17F80  }
0x1cc: {  	v2 =	vld [tilespmem:s0+$0x70];
	_ =	sdelay $0x3  }
0x1cd: {  	v3 =	vld [tilespmem:s0+$0x60]  }
0x1ce: {  	(xrf2) =	vadd.scan.msk.f32 $0xffff, v2;
	_ =	sdelay $0x3  }
0x1cf: {  	v2 =	vld [tilespmem:s0+$0x50];
	(xrf2) =	vadd.scan.msk.f32 $0xffff, v3  }
0x1d0: {  	v3 =	vld [tilespmem:s0+$0x40];
	_ =	sdelay $0x3  }
0x1d1: {  	(xrf2) =	vadd.scan.msk.f32 $0xffff, v2;
	v2 =	vld [tilespmem:s0+$0x30]  }
0x1d2: {  	v4, _, _ =	vpop (xrf2);
	(xrf2) =	vadd.scan.msk.f32 $0xffff, v3  }
0x1d3: {  	v5 =	vld [tilespmem:s0+$0x20]  }
0x1d4: {  	(v2sf) =	vpush v4, $0xF;
	_ =	sdelay $0x1  }
0x1d5: {  	v3, _, _ =	vpop (xrf2);
	v4 =	vld [tilespmem:s0+$0x10];
	(xrf2) =	vadd.scan.msk.f32 $0xffff, v2;
	_ =	sdelay $0x1  }
0x1d6: {  	(v2sf) =	vpush v3, $0xF;
	(xrf2) =	vadd.scan.msk.f32 $0xffff, v5;
	_ =	sdelay $0x2  }
0x1d7: {  	v2, _, _ =	vpop (xrf2);
	(xrf2) =	vadd.scan.msk.f32 $0xffff, v4  }
0x1d8: {  	v3 =	vld [tilespmem:s0+$0x0];
	(v2sf) =	vpush v2, $0xF;
	v2, _, _ =	vpop (xrf2)  }
0x1d9: {  	(v2sf) =	vpush v2, $0xF;
	_ =	sdelay $0x2  }
0x1da: {  	v2, _, _ =	vpop (xrf2)  }
0x1db: {  	(xrf2) =	vadd.scan.msk.f32 $0xffff, v3;
	(v2sf) =	vpush v2, $0xF  }
0x1dc: {  	s26 =	simm.s32 $0x17F00;
	[tilespmem:s0+$0x70] =	vst v0;
	v2, _, _ =	vpop (xrf2)  }
0x1dd: {  	[tilespmem:s0+$0x60] =	vst v0;
	s1 =	spop (v2sf);
	(v2sf) =	vpush v2, $0xF;
	v2 =	vld [tilespmem:s26+$0x70]  }
0x1de: {  	s20 =	ssub.f32 s20, s21;
	[tilespmem:s0+$0x20] =	vst v0;
	v4 =	vld [tilespmem:s26+$0x60]  }
0x1df: {  	v6 =	vld [tilespmem:s26+$0x50];
	[tilespmem:s0+$0x50] =	vst v0;
	v5, _, _ =	vpop (xrf2)  }
0x1e0: {  	[tilespmem:s0+$0x40] =	vst v0;
	s1 =	sadd.f32 s1, s20;
	(v2sf) =	vpush v5, $0xF;
	v5 =	vld [tilespmem:s26+$0x40]  }
0x1e1: {  	s21 =	simm.s32 $0xFFFFFFFF;
	p0 =	slt.f32 s20, s19;
	[tilespmem:s0+$0x30] =	vst v0;
	s5 =	spop (v2sf)  }
0x1e2: {  	s24 =	simm.s32 $0xFF8;
	[tilespmem:s0+$0x10] =	vst v0;
	s5 =	sadd.f32 s5, s1;
	p1 =	sge.f32 s1, s19;
	(xrf2) =	vadd.scan.msk.f32 $0xffff, v2  }
0x1e3: {  	s25 =	simm.s32 $0x10;
	s22 =	simm.s32 $0x17E80;
	[tilespmem:s0+$0x0] =	vst v0;
	s0 =	simm.s32 $0xFFE;
	(xrf2) =	vadd.scan.msk.f32 $0xffff, v4  }
0x1e4: {  	p2 =	slt.f32 s1, s19;
	p3 =	sge.f32 s5, s19;
	p0 =	por !p0, !p1;
	(xrf2) =	vadd.scan.msk.f32 $0xffff, v6  }
0x1e5: {  	s6 =	spop (v2sf);
	p5 =	slt.f32 s5, s19;
	p0 =	por !p0, !p0;
	(xrf2) =	vadd.scan.msk.f32 $0xffff, v5;
	v5, _, _ =	vpop (xrf2)  }
0x1e6: {  	s6 =	sadd.f32 s6, s5;
	p4 =	por !p2, !p3;
	s23 =	spop (v2sf);
	(v2sf) =	vpush v5, $0xF  }
0x1e7: {  	s20 =	smov.u32 @p0 s1;
	s1 =	simm.s32 $0xFFF;
	p1 =	por !p4, !p4  }
0x1e8: {  	p6 =	sge.f32 s6, s19;
	s21 =	smov.u32 @p0 s1;
	p3 =	slt.f32 s6, s19  }
0x1e9: {  	[tilespmem:s26+$0x50] =	vst v0;
	v2 =	vld [tilespmem:s26+$0x30];
	s1 =	simm.s32 $0xFFD;
	s20 =	smov.u32 @p1 s5;
	s14 =	sadd.f32 s23, s6  }
0x1ea: {  	[tilespmem:s26+$0x60] =	vst v0;
	v3 =	vld [tilespmem:s26+$0x20];
	s21 =	smov.u32 @p1 s0;
	s0 =	simm.s32 $0xFFC;
	s29 =	spop (v2sf)  }
0x1eb: {  	[tilespmem:s26+$0x20] =	vst v0;
	v4 =	vld [tilespmem:s26+$0x10];
	p2 =	por !p5, !p6;
	p4 =	sge.f32 s14, s19;
	s16 =	sadd.f32 s29, s14  }
0x1ec: {  	[tilespmem:s26+$0x70] =	vst v0;
	p0 =	por !p2, !p2;
	s23 =	simm.s32 $0xFF0;
	p5 =	slt.f32 s14, s19  }
0x1ed: {  	[tilespmem:s26+$0x40] =	vst v0;
	s30 =	spop (v2sf);
	v5, _, _ =	vpop (xrf2);
	p1 =	por !p3, !p4;
	p4 =	sge.f32 s16, s19  }
0x1ee: {  	[tilespmem:s26+$0x30] =	vst v0;
	s20 =	smov.u32 @p0 s6;
	(v2sf) =	vpush v5, $0xF;
	v5, _, _ =	vpop (xrf2);
	(xrf2) =	vadd.scan.msk.f32 $0xffff, v2;
	p2 =	por !p1, !p1;
	s5 =	sadd.f32 s30, s16  }
0x1ef: {  	[tilespmem:s26+$0x10] =	vst v0;
	s31 =	spop (v2sf);
	(v2sf) =	vpush v5, $0xF;
	v5, _, _ =	vpop (xrf2);
	(xrf2) =	vadd.scan.msk.f32 $0xffff, v3;
	p6 =	por !p5, !p4;
	p4 =	slt.f32 s16, s19  }
0x1f0: {  	v2 =	vld [tilespmem:s26+$0x0];
	[tilespmem:s26+$0x0] =	vst v0;
	(v2sf) =	vpush v5, $0xF;
	(xrf2) =	vadd.scan.msk.f32 $0xffff, v4;
	v3, _, _ =	vpop (xrf2);
	p3 =	por !p6, !p6;
	p5 =	sge.f32 s5, s19;
	s8 =	sadd.f32 s31, s5  }
.LBB2_18:
0x1f1: {  	_ =	sdelay $0x2  }
0x1f2: {  	s25 =	sadd.s32 $0x8, s25  }
0x1f3: {  	s20 =	smov.u32 @p2 s14;
	p1 =	slt.f32 s5, s19;
	s6 =	spop (v2sf);
	(v2sf) =	vpush v3, $0xF  }
0x1f4: {  	v4 =	vld [tilespmem:s22+$0x70];
	s21 =	smov.u32 @p0 s1;
	p4 =	por !p4, !p5;
	p6 =	sge.f32 s8, s19  }
0x1f5: {  	s20 =	smov.u32 @p3 s16;
	p0 =	slt.u32 s25, $0xFF8;
	s21 =	smov.u32 @p2 s0  }
0x1f6: {  	s0 =	sadd.s32 $0x3, s24;
	p4 =	por !p4, !p4;
	s1 =	simm.s32 @!p0 $0x0  }
0x1f7: {  	s21 =	smov.u32 @p3 s0;
	s0 =	sadd.s32 $0x2, s24;
	s20 =	smov.u32 @p4 s5;
	(xrf2) =	vadd.scan.msk.f32 $0xffff, v2;
	v2 =	vld [tilespmem:s22+$0x60];
	v3, _, _ =	vpop (xrf2)  }
0x1f8: {  	p6 =	por !p1, !p6;
	s1 =	simm.s32 @p0 $0x1;
	s6 =	sadd.f32 s6, s8;
	(v2sf) =	vpush v3, $0xF  }
0x1f9: {  	p0 =	slt.f32 s8, s19;
	s21 =	smov.u32 @p4 s0;
	s0 =	sadd.s32 $0x1, s24;
	(xrf2) =	vadd.scan.msk.f32 $0xffff, v4  }
0x1fa: {  	[smem:$0x7F8] =	sst s1;
	p6 =	por !p6, !p6;
	p5 =	sge.f32 s6, s19;
	v4, _, _ =	vpop (xrf2)  }
0x1fb: {  	s20 =	smov.u32 @p6 s8;
	s21 =	smov.u32 @p6 s0;
	s14 =	spop (v2sf);
	(v2sf) =	vpush v4, $0xF  }
0x1fc: {  	s0 =	sadd.s32 $0x7, s23;
	(xrf2) =	vadd.scan.msk.f32 $0xffff, v2;
	v2, _, _ =	vpop (xrf2);
	p0 =	por !p0, !p5;
	s1 =	sadd.f32 s14, s6  }
0x1fd: {  	s31 =	sld [smem:$0x7F8];
	v3 =	vld [tilespmem:s22+$0x50];
	p0 =	por !p0, !p0;
	s15 =	spop (v2sf);
	(v2sf) =	vpush v2, $0xF  }
0x1fe: {  	p1 =	slt.f32 s6, s19;
	v4 =	vld [tilespmem:s22+$0x40];
	s21 =	smov.u32 @p0 s24;
	p5 =	sge.f32 s1, s19  }
0x1ff: {  	[tilespmem:s22+$0x70] =	vst v0;
	s24 =	smov.u32 s23;
	s20 =	smov.u32 @p0 s6;
	s5 =	sadd.f32 s15, s1  }
0x200: {  	[tilespmem:s22+$0x60] =	vst v0;
	p2 =	slt.f32 s1, s19;
	p1 =	por !p1, !p5;
	s16 =	spop (v2sf)  }
0x201: {  	[tilespmem:s22+$0x50] =	vst v0;
	v2 =	vld [tilespmem:s22+$0x30];
	p0 =	por !p1, !p1;
	p6 =	sge.f32 s5, s19;
	s6 =	sadd.f32 s16, s5  }
0x202: {  	[tilespmem:s22+$0x40] =	vst v0;
	(xrf2) =	vadd.scan.msk.f32 $0xffff, v3;
	v3, _, _ =	vpop (xrf2);
	s20 =	smov.u32 @p0 s1;
	p4 =	slt.f32 s5, s19;
	s17 =	spop (v2sf)  }
0x203: {  	[tilespmem:s22+$0x30] =	vst v0;
	(v2sf) =	vpush v3, $0xF;
	s21 =	smov.u32 @p0 s0;
	s0 =	sadd.s32 $0x6, s23;
	v3, _, _ =	vpop (xrf2);
	(xrf2) =	vadd.scan.msk.f32 $0xffff, v4;
	s14 =	sadd.f32 s17, s6  }
0x204: {  	s1 =	sadd.s32 $0x5, s23;
	v4 =	vld [tilespmem:s22+$0x20];
	[tilespmem:s22+$0x20] =	vst v0;
	p3 =	por !p2, !p6;
	p5 =	sge.f32 s6, s19  }
0x205: {  	(v2sf) =	vpush v3, $0xF;
	v3 =	vld [tilespmem:s22+$0x10];
	[tilespmem:s22+$0x10] =	vst v0;
	p1 =	slt.f32 s6, s19;
	p2 =	por !p3, !p3;
	p3 =	sge.f32 s14, s19  }
0x206: {  	v5, _, _ =	vpop (xrf2);
	(xrf2) =	vadd.scan.msk.f32 $0xffff, v2;
	v2 =	vld [tilespmem:s22+$0x0];
	[tilespmem:s22+$0x0] =	vst v0;
	s22 =	sadd.s32 $0xFFFFFF80, s22;
	s20 =	smov.u32 @p2 s5;
	s21 =	smov.u32 @p2 s0  }
0x207: {  	p6 =	por !p4, !p5;
	s26 =	spop (v2sf);
	p1 =	por !p1, !p3  }
0x208: {  	s16 =	sadd.f32 s26, s14;
	p2 =	por !p1, !p1;
	p1 =	seq.s32 s31, $0x1  }
.Ltmp8:
0x209: {  	s0 =	sadd.s32 $0x4, s23;
	p4 =	slt.f32 s14, s19;
	(pc) =	sbr.rel @p1 .LBB2_18-.Ltmp8, $4  }
0x20a: {  	p0 =	por !p6, !p6;
	s29 =	spop (v2sf);
	p5 =	sge.f32 s16, s19  }
0x20b: {  	s23 =	sadd.s32 $0xFFFFFFF8, s23;
	s20 =	smov.u32 @p0 s6;
	s5 =	sadd.f32 s29, s16  }
0x20c: {  	(v2sf) =	vpush v5, $0xF;
	v5, _, _ =	vpop (xrf2);
	(xrf2) =	vadd.scan.msk.f32 $0xffff, v4;
	p6 =	por !p4, !p5;
	p4 =	slt.f32 s16, s19;
	s30 =	spop (v2sf)  }
0x20d: {  	(v2sf) =	vpush v5, $0xF;
	(xrf2) =	vadd.scan.msk.f32 $0xffff, v3;
	v3, _, _ =	vpop (xrf2);
	p5 =	sge.f32 s5, s19;
	p3 =	por !p6, !p6;
	s8 =	sadd.f32 s30, s5  }
0x20e: {  	_ =	sdelay $0x2  }
0x20f: {  	v4 =	vld [tilespmem:s22+$0x70]  }
0x210: {  	(xrf2) =	vadd.scan.msk.f32 $0xffff, v2  }
0x211: {  	s20 =	smov.u32 @p2 s14;
	v2 =	vld [tilespmem:s22+$0x60];
	s6 =	spop (v2sf);
	(v2sf) =	vpush v3, $0xF  }
0x212: {  	p6 =	slt.f32 s5, s19;
	s21 =	smov.u32 @p0 s1;
	p1 =	por !p4, !p5;
	v3, _, _ =	vpop (xrf2)  }
0x213: {  	p5 =	sge.f32 s8, s19;
	s21 =	smov.u32 @p2 s0;
	s0 =	sadd.s32 $0x3, s24;
	(v2sf) =	vpush v3, $0xF  }
0x214: {  	s20 =	smov.u32 @p3 s16;
	p1 =	por !p1, !p1;
	s21 =	smov.u32 @p3 s0;
	(xrf2) =	vadd.scan.msk.f32 $0xffff, v4  }
0x215: {  	s0 =	sadd.s32 $0x2, s24;
	p6 =	por !p6, !p5;
	s6 =	sadd.f32 s6, s8;
	v3, _, _ =	vpop (xrf2)  }
0x216: {  	v61 =	vld [tilespmem:s22+$0x50];
	p5 =	por !p6, !p6;
	p6 =	slt.f32 s8, s19;
	s16 =	spop (v2sf);
	(xrf2) =	vadd.scan.msk.f32 $0xffff, v2;
	(v2sf) =	vpush v3, $0xF  }
0x217: {  	s20 =	smov.u32 @p1 s5;
	p4 =	sge.f32 s6, s19;
	s1 =	sadd.f32 s16, s6  }
0x218: {  	s21 =	smov.u32 @p1 s0;
	s0 =	sadd.s32 $0x1, s24;
	p0 =	slt.f32 s6, s19;
	v2, _, _ =	vpop (xrf2)  }
0x219: {  	p6 =	por !p6, !p4;
	p4 =	sge.f32 s1, s19;
	s17 =	spop (v2sf);
	(v2sf) =	vpush v2, $0xF;
	v2 =	vld [tilespmem:s22+$0x40]  }
0x21a: {  	s20 =	smov.u32 @p5 s8;
	s21 =	smov.u32 @p5 s0;
	p2 =	slt.f32 s1, s19;
	v3, _, _ =	vpop (xrf2)  }
0x21b: {  	(xrf2) =	vadd.scan.msk.f32 $0xffff, v61;
	p3 =	por !p6, !p6;
	p0 =	por !p0, !p4;
	s5 =	sadd.f32 s17, s1;
	(v2sf) =	vpush v3, $0xF  }
0x21c: {  	s21 =	smov.u32 @p3 s24;
	s20 =	smov.u32 @p3 s6;
	p1 =	por !p0, !p0;
	v3 =	vld [tilespmem:s22+$0x30]  }
0x21d: {  	s20 =	smov.u32 @p1 s1;
	s1 =	sadd.s32 $0x7, s23;
	p6 =	sge.f32 s5, s19  }
0x21e: {  	s24 =	spop (v2sf);
	v62, _, _ =	vpop (xrf2);
	s21 =	smov.u32 @p1 s1;
	(xrf2) =	vadd.scan.msk.f32 $0xffff, v2;
	v2 =	vld [tilespmem:s22+$0x20]  }
0x21f: {  	s1 =	sadd.s32 $0x6, s23;
	s0 =	sadd.f32 s24, s5;
	(v2sf) =	vpush v62, $0xF;
	p4 =	por !p2, !p6  }
0x220: {  	v63 =	vld [tilespmem:s22+$0x10];
	p5 =	slt.f32 s5, s19;
	v5, _, _ =	vpop (xrf2);
	p2 =	por !p4, !p4;
	s25 =	spop (v2sf)  }
0x221: {  	p6 =	sge.f32 s0, s19;
	(xrf2) =	vadd.scan.msk.f32 $0xffff, v3;
	(v2sf) =	vpush v5, $0xF;
	s21 =	smov.u32 @p2 s1;
	s1 =	sadd.f32 s25, s0  }
0x222: {  	s6 =	sadd.s32 $0x5, s23;
	p4 =	slt.f32 s0, s19;
	v3 =	vld [tilespmem:s22+$0x0];
	s26 =	spop (v2sf)  }
0x223: {  	s20 =	smov.u32 @p2 s5;
	p0 =	por !p5, !p6;
	s5 =	sadd.f32 s26, s1;
	(xrf2) =	vadd.scan.msk.f32 $0xffff, v2  }
0x224: {  	p0 =	por !p0, !p0;
	p5 =	sge.f32 s1, s19;
	p3 =	slt.f32 s1, s19  }
0x225: {  	s20 =	smov.u32 @p0 s0;
	v2, _, _ =	vpop (xrf2);
	s29 =	spop (v2sf);
	(xrf2) =	vadd.scan.msk.f32 $0xffff, v63;
	p6 =	sge.f32 s5, s19  }
0x226: {  	s21 =	smov.u32 @p0 s6;
	(v2sf) =	vpush v2, $0xF;
	p1 =	por !p4, !p5;
	s0 =	sadd.f32 s29, s5  }
0x227: {  	p4 =	slt.f32 s5, s19;
	p1 =	por !p1, !p1;
	(xrf2) =	vadd.scan.msk.f32 $0xffff, v3;
	p2 =	por !p3, !p6  }
0x228: {  	s20 =	smov.u32 @p1 s1;
	p5 =	sge.f32 s0, s19;
	p3 =	por !p2, !p2  }
0x229: {  	p6 =	slt.f32 s0, s19;
	s30 =	spop (v2sf);
	v2, _, _ =	vpop (xrf2);
	s20 =	smov.u32 @p3 s5  }
0x22a: {  	s5 =	sadd.s32 $0x4, s23;
	s8 =	sadd.f32 s30, s0;
	s31 =	spop (v2sf);
	(v2sf) =	vpush v2, $0xF  }
0x22b: {  	p4 =	por !p4, !p5;
	v2, _, _ =	vpop (xrf2);
	s21 =	smov.u32 @p1 s5;
	s5 =	sadd.s32 $0x3, s23  }
0x22c: {  	p2 =	por !p4, !p4;
	(v2sf) =	vpush v2, $0xF;
	s21 =	smov.u32 @p3 s5;
	p5 =	sge.f32 s8, s19  }
0x22d: {  	s5 =	sadd.s32 $0x2, s23;
	s1 =	sadd.f32 s31, s8;
	s20 =	smov.u32 @p2 s0;
	v2, _, _ =	vpop (xrf2)  }
0x22e: {  	s6 =	spop (v2sf);
	s21 =	smov.u32 @p2 s5;
	p6 =	por !p6, !p5;
	(v2sf) =	vpush v2, $0xF  }
0x22f: {  	p4 =	sge.f32 s1, s19;
	s0 =	sadd.f32 s6, s1;
	p1 =	por !p6, !p6;
	v2, _, _ =	vpop (xrf2)  }
0x230: {  	p6 =	slt.f32 s8, s19;
	s20 =	smov.u32 @p1 s8;
	s8 =	spop (v2sf);
	(v2sf) =	vpush v2, $0xF  }
0x231: {  	s5 =	sadd.s32 $0x1, s23;
	p0 =	slt.f32 s1, s19;
	v2, _, _ =	vpop (xrf2);
	p5 =	sge.f32 s0, s19  }
0x232: {  	p3 =	slt.f32 s0, s19;
	p4 =	por !p6, !p4;
	s6 =	sadd.f32 s8, s0;
	(v2sf) =	vpush v2, $0xF  }
0x233: {  	s21 =	smov.u32 @p1 s5;
	p1 =	por !p4, !p4;
	p0 =	por !p0, !p5  }
0x234: {  	p6 =	sge.f32 s6, s19;
	s21 =	smov.u32 @p1 s23;
	s20 =	smov.u32 @p1 s1  }
0x235: {  	p0 =	por !p0, !p0;
	p5 =	slt.f32 s6, s19;
	s9 =	spop (v2sf)  }
0x236: {  	s20 =	smov.u32 @p0 s0;
	s0 =	sadd.s32 $0xFFFFFFF8, s23;
	s1 =	sadd.f32 s9, s6  }
0x237: {  	p4 =	por !p3, !p6;
	s5 =	sadd.s32 $0x7, s0;
	s9 =	sadd.s32 $0x5, s0  }
0x238: {  	p1 =	por !p4, !p4;
	s21 =	smov.u32 @p0 s5;
	p6 =	sge.f32 s1, s19  }
0x239: {  	s5 =	sadd.s32 $0x6, s0;
	s20 =	smov.u32 @p1 s6;
	s14 =	spop (v2sf)  }
0x23a: {  	s21 =	smov.u32 @p1 s5;
	p1 =	por !p5, !p6;
	s6 =	sadd.f32 s14, s1  }
0x23b: {  	p2 =	slt.f32 s1, s19;
	p0 =	por !p1, !p1;
	s15 =	spop (v2sf)  }
0x23c: {  	s20 =	smov.u32 @p0 s1;
	p3 =	sge.f32 s6, s19;
	s5 =	sadd.f32 s15, s6  }
0x23d: {  	s1 =	sadd.s32 $0x4, s0;
	p4 =	slt.f32 s6, s19;
	s16 =	spop (v2sf)  }
0x23e: {  	s21 =	smov.u32 @p0 s9;
	p5 =	sge.f32 s5, s19;
	s8 =	sadd.f32 s16, s5  }
0x23f: {  	p1 =	por !p2, !p3;
	p2 =	slt.f32 s5, s19;
	s17 =	spop (v2sf)  }
0x240: {  	p3 =	por !p1, !p1;
	p4 =	por !p4, !p5;
	p6 =	sge.f32 s8, s19  }
0x241: {  	s15 =	spop (v2sf);
	s21 =	smov.u32 @p3 s1;
	s14 =	sadd.f32 s17, s8  }
0x242: {  	s1 =	sadd.s32 $0x3, s0;
	p5 =	slt.f32 s8, s19;
	p1 =	por !p2, !p6  }
0x243: {  	p6 =	sge.f32 s14, s19;
	s15 =	sadd.f32 s15, s14;
	p2 =	por !p4, !p4  }
0x244: {  	p1 =	por !p1, !p1;
	s21 =	smov.u32 @p2 s1;
	s1 =	sadd.s32 $0x2, s0  }
0x245: {  	p4 =	por !p5, !p6;
	p5 =	sge.f32 s15, s19;
	p6 =	slt.f32 s14, s19  }
0x246: {  	s20 =	smov.u32 @p3 s6;
	s21 =	smov.u32 @p1 s1  }
0x247: {  	[tilespmem:s22+$0x70] =	vst v0;
	s1 =	sadd.s32 $0x1, s0;
	p0 =	por !p4, !p4;
	p3 =	por !p6, !p5  }
0x248: {  	[tilespmem:s22+$0x60] =	vst v0;
	s20 =	smov.u32 @p2 s5;
	s21 =	smov.u32 @p0 s1;
	p2 =	por !p3, !p3  }
0x249: {  	[tilespmem:s22+$0x50] =	vst v0;
	s20 =	smov.u32 @p1 s8;
	s21 =	smov.u32 @p2 s0  }
0x24a: {  	[tilespmem:s22+$0x10] =	vst v0;
	s20 =	smov.u32 @p0 s14;
	p0 =	sgt.s32 s21, $0x0  }
0x24b: {  	[tilespmem:s22+$0x40] =	vst v0;
	s20 =	smov.u32 @p2 s15;
	p1 =	slt.s32 s21, $0x0;
	s21 =	simm.s32 @!p0 $0x0  }
0x24c: {  	[tilespmem:s22+$0x30] =	vst v0;
	s19 =	sshll.u32 s18, $0x14;
	s20 =	smov.u32 @p1 s15;
	s21 =	sshll.u32 s21, $0x8  }
0x24d: {  	[tilespmem:s22+$0x20] =	vst v0;
	v2 =	vmov s20;
	s0 =	sor.u32 s19, s21  }
0x24e: {  	[tilespmem:s22+$0x0] =	vst v0;
	v2 =	vbroadcast v2, $0x0;
	v3 =	vmov s0  }
0x24f: {  	[tilespmem:$0x18000] =	vst v3  }
0x250: {  	s24 =	simm.s32 $0x18000;
	s25 =	simm.s32 $0x3;
	s23 =	rddreg [dreg:$0x3];
	[tilespmem:$0x18080] =	vst v2  }
0x251: {  	[hbm4b:s23+s2] =	stream.linear.scatter [tilespmem:s24], [sflag:$0x3], $0x10, $0x38;
	[tilespmem:$0x18100] =	vst v63  }
0x252: {  	_ =	swait.ge [sflag:s25], $0x10  }
0x253: {  	[sflag:s25] =	ssyncset.done $0x0  }
0x254: {  	s29 =	simm.s32 $0x18080;
	s26 =	rddreg [dreg:$0x5];
	[sflag:s25] =	ssyncadd.s32 $0xFFFFFFF0  }
0x255: {  	[hbm4b:s26+s2] =	stream.linear.scatter [tilespmem:s29], [sflag:$0x3], $0x10, $0x38;
	[tilespmem:$0x18100] =	vst v63  }
0x256: {  	_ =	swait.ge [sflag:s25], $0x10  }
0x257: {  	s30 =	rddreg [dreg:$0x7]  }
0x258: {  	s31 =	rddreg [dreg:$0x6];
	s5 =	sadd.s32 $0x1, s30  }
0x259: {  	p0 =	sne.s32 s5, s31  }
.Ltmp9:
0x25a: {  	_ = 	snop;
	(pc) =	sbr.rel @p0 .LBB2_1-.Ltmp9, $3  }
0x25b: {  	_ =	sdelay $0x1  }
0x25c: {  	[sflag:s25] =	ssyncset.done $0x0  }
0x25d: {  	[sflag:s25] =	ssyncadd.s32 $0xFFFFFFF0  }
0x25e: {  	_ =	sfence.sel $0x180000  }
0x25f: {  	[bflag:$0x0] =	sbarrier.arrive $0xFFFF  }
0x260: {  	_ =	strace $0x9000004A  }
0x261: {  	s0 =	stileid.u32;
	[bflag:$0x2] =	sbarrier.arrive $0xFFFF  }
0x262: {  	p0 =	sne.s32 s0, $0x0;
	s0 =	rddreg [dreg:$0x2]  }
0x263: {  	s0 =	sadd.s32 @!p0 $0x100000, s0  }
0x264: {  	[sflag:s0] =	ssyncadd.tile.s32 @!p0 $0x1;
	_ =	shalt  }
.Lfunc_end2:
_tile_overlayer_lowered:
.L_overlay_start_2:
0x265: {  	(tag) =	ssettag $0x2  }
0x266: {  	s0 =	rddreg [dreg:$0x0];
	s2 =	stileid.u32  }
0x267: {  	s1 =	rddreg [dreg:$0x1];
	p0 =	sne.s32 s2, $0x0  }
0x268: {  	s3 =	rddreg [dreg:$0x2];
	[bflag:$0x3] =	sbarrier.arrive $0xFFFF;
	s2 =	simm.s32 @!p0 $0x1C03  }
0x269: {  	[timem:s3], [sflag:s2] =	dma.local @!p0 [hbm:s0], s1  }
0x26a: {  	s0 =	simm.s32 @!p0 $0x3  }
0x26b: {  	_ =	swait.ge @!p0 [sflag:s0], s1  }
0x26c: {  	s1 =	ssub.s32 @!p0 $0x0, s1;
	[sflag:s0] =	ssyncset.done @!p0 $0x0  }
0x26d: {  	[sflag:s0] =	ssyncadd.s32 @!p0 s1  }
0x26e: {  	[bflag:$0x3] =	sbarrier.arrive $0xFFFF  }
0x26f: {  	_ =	shalt  }

// kernel: sparse-core-data-format-call.1.cloned.1.call-start
scs
called_computation.1_lowered:
.L_overlay_start_0:
0x0: {  	s1 =	sld [smem:$0x3FD9]  }
0x1: {  	s2 =	sld [smem:$0x3FFE];
	_ =	sdelay $0x1  }
0x2: {  	s3 =	srdreg.scid  }
0x3: {  	s0 =	sand.u32 $0x1, s3  }
0x4: {  	s17 =	sshll.u32 s0, $0xA;
	s1 =	sadd.s32 s2, s1  }
0x5: {  	s1 =	sadd.s32 s1, s17  }
0x6: {  	[smem:$0x3FC7] =	sst s1  }
0x7: {  	_ = 	snop  }
0x8: {  	(tm) =	ssettm $0x1  }
0x9: {  	s18 =	sld [smem:$0x3FFB];
	_ =	sdelay $0x3  }
0xa: {  	_ =	strace s18  }
0xb: {  	s1 =	sld [smem:$0x3FFC];
	_ =	sdelay $0x3  }
0xc: {  	_ =	strace s1  }
0xd: {  	s1 =	sld [smem:$0x3FFD];
	_ =	sdelay $0x3  }
0xe: {  	_ =	strace s1  }
0xf: {  	_ =	strace $0x8FFFFFFF  }
0x10: {  	s19 =	sld [smem:$0x3FDB];
	_ =	sdelay $0x1  }
0x11: {  	s20 =	simm.s32 $_scs_section_size  }
0x12: {  	s4 =	simm.s32 $_size__tile_overlayer_lowered;
	s5 =	simm.s32 $_tile_overlayer_lowered  }
0x13: {  	s23 =	simm.s32 $0x1BFF;
	s22 =	sshll.u32 s5, $0x1;
	s1 =	sadd.s32 s20, s19  }
0x14: {  	s6 =	simm.s32 $0x0;
	s21 =	sshll.u32 s4, $0x1;
	s4 =	sadd.s32 s22, s1  }
0x15: {  	[timem:s6], [sflag:s23] =	dma.local [hbm:s4], s21  }
0x16: {  	_ =	swait.ge [sflag:s23], s21  }
0x17: {  	s2 =	ssub.s32 $0x0, s21;
	[sflag:s23] =	ssyncset.done $0x0  }
0x18: {  	[sflag:s23] =	ssyncadd.s32 s2;
	_ =	sdelay $0x1  }
0x19: {  	s24 =	simm.s32 $0x1B8B  }
0x1a: {  	_ =	swait.ge [sflag:s24], $0x1  }
0x1b: {  	[sflag:s24] =	ssyncset.done $0x0  }
0x1c: {  	s26 =	simm.s32 $0x1B8E;
	s25 =	sld [smem:$0x3FFE];
	[sflag:s24] =	ssyncadd.s32 $0xFFFFFFFF  }
0x1d: {  	s27 =	simm.s32 $execute0_lowered;
	[smem:$0x3FD2] =	sst s26  }
0x1e: {  	s4 =	sshll.u32 s27, $0x1;
	_ =	strace $0x80000046;
	[dreg:$0x1] =	wrdreg $0xFFFFFFFF  }
0x1f: {  	s28 =	simm.s32 $_size_execute0_lowered;
	s1 =	sadd.s32 s1, s4;
	[dreg:$0x0] =	wrdreg $0x0  }
0x20: {  	s4 =	sshll.u32 s28, $0x1;
	[dreg:$0x2] =	wrdreg s1  }
0x21: {  	[dreg:$0x3] =	wrdreg s4  }
0x22: {  	[dreg:$0x4] =	wrdreg $0xC0  }
0x23: {  	_ =	task [dreg:s6], $0x5FFFF  }
0x24: {  	[dreg:$0x1] =	wrdreg $0xFFFFFFFF  }
0x25: {  	[dreg:$0x0] =	wrdreg $0x60  }
0x26: {  	[dreg:$0x2] =	wrdreg s25  }
0x27: {  	[dreg:$0x3] =	wrdreg $0x9  }
0x28: {  	_ =	task.clear_ibuf [dreg:s6], $0x4FFFF;
	_ =	strace $0x90000046  }
0x29: {  	s29 =	simm.s32 $0x9;
	_ =	strace $0x80000048  }
0x2a: {  	_ =	swait.ge [sflag:s29], $0x1  }
0x2b: {  	[sflag:s29] =	ssyncadd.s32 $0xFFFFFFFF  }
0x2c: {  	_ =	strace $0x90000048  }
0x2d: {  	_ =	sfence  }
0x2e: {  	s30 =	sld [smem:$0x0];
	_ =	sdelay $0x2  }
0x2f: {  	s31 =	sshll.u32 s3, $0xD;
	s3 =	sshrl.u32 s3, $0x2  }
0x30: {  	s2 =	sand.u32 $0x4000, s31;
	s1 =	sadd.s32 s3, s30  }
0x31: {  	s0 =	sor.u32 s2, s0;
	s1 =	sshll.u32 s1, $0x11  }
0x32: {  	s0 =	sor.u32 s1, s0  }
0x33: {  	s0 =	sadd.s32 $0x8F2B, s0  }
0x34: {  	[sflag:s0] =	ssyncadd.remote.s32 $0x1  }
0x35: {  	_ =	sfence.sel $0xFFFF  }
0x36: {  	[dreg:$0x0] =	wrdreg $0xFFFFFFFF;
	(pc) =	sbr.abs _section_cstart, $3  }
0x37: {  	[dreg:$0x1] =	wrdreg $0xFFFFFFFF  }
0x38: {  	_ =	task.clear_ibuf [dreg:s6], $0x2FFFF;
	_ =	strace $0x9FFFFFFF  }
0x39: {  	(tm) =	ssettm $0x7FFFFFFF  }
tec
execute0_lowered:
.L_overlay_start_1:
0x0: {  	(tag) =	ssettag $0x1  }
0x1: {  	s0 =	stileid.u32  }
0x2: {  	s1 =	srdreg.scid;
	s4 =	rddreg [dreg:$0x0]  }
0x3: {  	s7 =	simm.s32 $0x1;
	s8 =	simm.s32 $0x2;
	s15 =	simm.s32 $0x0  }
0x4: {  	s9 =	simm.s32 $0x800;
	s2 =	sshll.u32 s0, $0x2;
	s1 =	sshll.u32 s1, $0x6  }
0x5: {  	s10 =	simm.s32 $0x100000;
	s11 =	simm.s32 $0x0;
	s1 =	sor.u32 s2, s1  }
0x6: {  	s16 =	simm.s32 $0x0;
	s14 =	simm.s32 $0x0;
	s2 =	sand.u32 $0x70, s1  }
0x7: {  	s3 =	sadd.s32 $0xC00, s4;
	s4 =	sadd.s32 $0x400C00, s4;
	s6 =	ssub.s32 $0x2000, s2  }
.Ltmp0:
0x8: {  	s1 =	rddreg [dreg:$0x1];
	s5 =	sand.u32 $0x70, s6;
	(pc) =	sbr.rel .LBB1_1-.Ltmp0, $4  }
0x9: {  	_ =	strace $0x80000047;
	s12 =	smov.u32 s2;
	p0 =	sne.s32 s5, $0x0  }
0xa: {  	s6 =	sshrl.u32 s6, $0x7;
	s5 =	simm.s32 $0x1;
	s7 =	simm.s32 @!p0 $0x0  }
0xb: {  	[sflag:s5] =	ssyncpa.u1 $0x0;
	s6 =	sadd.s32 s7, s6;
	s7 =	sand.u32 $0x3, s0  }
0xc: {  	[sflag:s8] =	ssyncpa.u1 $0x0;
	s8 =	sadd.s32 $0x1, s6;
	s13 =	smov.u32 s7  }
.LBB1_7:
0xd: {  	s17 =	sadd.s32 $0x80, s12  }
0xe: {  	s15 =	sadd.s32 $0x4, s13;
	s19 =	smov.u32 s13;
	p1 =	sgt.s32 s17, $0x1FFF  }
0xf: {  	s19 =	smov.u32 @p1 s15  }
0x10: {  	s17 =	smov.u32 @p1 s2;
	p1 =	sgt.s32 s19, $0x3  }
0x11: {  	s19 =	smov.u32 @p1 s7;
	p1 =	sne.s32 s14, s8  }
.Ltmp1:
0x12: {  	p0 =	slt.u32 s14, $0x2;
	(pc) =	sbr.rel @!p1 .LBB1_8-.Ltmp1, $4  }
0x13: {  	s18 =	simm.s32 @!p0 $0x2  }
0x14: {  	s16 =	smov.u32 s13;
	s11 =	sadd.s32 $0x4000, s11;
	_ =	swait.ge @!p0 [sflag:s18], $0x4000  }
0x15: {  	s15 =	smov.u32 s12;
	[sflag:s18] =	ssyncset.done @!p0 $0x0;
	s12 =	smov.u32 s17  }
0x16: {  	s14 =	sadd.s32 $0x1, s14;
	[sflag:s18] =	ssyncadd.s32 @!p0 $0xFFFFC000;
	s13 =	smov.u32 s19  }
.LBB1_1:
0x17: {  	p0 =	sge.u32 s14, s6  }
0x18: {  	s31 =	sadd.s32 $0xFFFFFFFF, s14;
	s17 =	sxor.u32 @!p0 $0xFFFFFFFF, s14;
	s18 =	sshll.u32 @!p0 s13, $0x14  }
0x19: {  	s19 =	sshll.u32 @!p0 s12, $0x7;
	s17 =	sshll.u32 @!p0 s17, $0xE;
	s18 =	sadd.s32 @!p0 s3, s18  }
0x1a: {  	s17 =	sand.u32 @!p0 $0x4000, s17;
	s18 =	sadd.s32 @!p0 s19, s18;
	s19 =	simm.s32 @!p0 $0x0  }
0x1b: {  	[tilespmem:s17], [sflag:$0x1] =	stream.linear.gather @!p0 [hbm4b:s18+s19], $0x4000, $0x38;
	[tilespmem:$0x10000] =	vst v63  }
0x1c: {  	p0 =	sge.u32 s31, s6  }
.Ltmp2:
0x1d: {  	_ = 	snop;
	(pc) =	sbr.rel @p0 .LBB1_7-.Ltmp2, $1  }
0x1e: {  	_ =	sdelay $0x3  }
0x1f: {  	s18 =	sand.u32 $0x4000, s11  }
0x20: {  	_ =	swait.ge [sflag:s5], $0x4000;
	s20 =	sshll.u32 s14, $0xE;
	s17 =	sor.u32 $0x8040, s18  }
0x21: {  	s19 =	sor.u32 $0x40, s18;
	[sflag:s5] =	ssyncset.done $0x0;
	s31 =	sand.u32 $0x4000, s20  }
0x22: {  	s20 =	simm.s32 $0x0;
	[sflag:s5] =	ssyncadd.s32 $0xFFFFC000;
	s18 =	sor.u32 $0x8000, s31  }
.LBB1_3:
0x23: {  	v0 =	vmov s19;
	_ =	sdelay $0x3  }
0x24: {  	s22 =	simm.s32 $0x0  }
0x25: {  	v6 =	vld.idx.msk [tilespmem:v0+s22+$0x30 ss:$0x1], $0xffff  }
0x26: {  	v7 =	vld.idx.msk [tilespmem:v0+s22+$0xFFFFFFC0 ss:$0x1], $0xffff  }
0x27: {  	v5 =	vld.idx.msk [tilespmem:v0+s22+$0xFFFFFFD0 ss:$0x1], $0xffff  }
0x28: {  	v4 =	vld.idx.msk [tilespmem:v0+s22+$0xFFFFFFE0 ss:$0x1], $0xffff  }
0x29: {  	v3 =	vld.idx.msk [tilespmem:v0+s22+$0xFFFFFFF0 ss:$0x1], $0xffff  }
0x2a: {  	v1 =	vld.idx.msk [tilespmem:v0+s22+$0x0 ss:$0x1], $0xffff  }
0x2b: {  	v2 =	vld.idx.msk [tilespmem:v0+s22+$0x10 ss:$0x1], $0xffff;
	[tilespmem:s17+$0x30] =	vst v6  }
0x2c: {  	s21 =	simm.s32 $0x80;
	s23 =	simm.s32 $0x400;
	[tilespmem:s17+$0xFFFFFFC0] =	vst v7;
	v6 =	vld.idx.msk [tilespmem:v0+s22+$0x20 ss:$0x1], $0xffff;
	s22 =	smov.u32 s17  }
.LBB1_4:
0x2d: {  	p0 =	sne.s32 s23, $0xE00;
	v7 =	vld.idx.msk [tilespmem:v0+s21+$0x30 ss:$0x1], $0xffff;
	[tilespmem:s22+$0xFFFFFFD0] =	vst v5  }
0x2e: {  	v8 =	vld.idx.msk [tilespmem:v0+s21+$0xFFFFFFC0 ss:$0x1], $0xffff;
	[tilespmem:s22+$0xFFFFFFE0] =	vst v4  }
0x2f: {  	v5 =	vld.idx.msk [tilespmem:v0+s21+$0xFFFFFFD0 ss:$0x1], $0xffff;
	[tilespmem:s22+$0xFFFFFFF0] =	vst v3  }
.Ltmp3:
0x30: {  	v4 =	vld.idx.msk [tilespmem:v0+s21+$0xFFFFFFE0 ss:$0x1], $0xffff;
	[tilespmem:s22+$0x0] =	vst v1;
	(pc) =	sbr.rel @p0 .LBB1_4-.Ltmp3, $4  }
0x31: {  	v3 =	vld.idx.msk [tilespmem:v0+s21+$0xFFFFFFF0 ss:$0x1], $0xffff;
	[tilespmem:s22+$0x10] =	vst v2  }
0x32: {  	v1 =	vld.idx.msk [tilespmem:v0+s21+$0x0 ss:$0x1], $0xffff;
	[tilespmem:s22+$0x20] =	vst v6;
	s22 =	sadd.s32 $0x800, s22  }
0x33: {  	v2 =	vld.idx.msk [tilespmem:v0+s21+$0x10 ss:$0x1], $0xffff;
	[tilespmem:s22+$0x30] =	vst v7  }
0x34: {  	[tilespmem:s22+$0xFFFFFFC0] =	vst v8;
	v6 =	vld.idx.msk [tilespmem:v0+s21+$0x20 ss:$0x1], $0xffff;
	s21 =	sshra.s32 s23, $0x2;
	s23 =	sadd.s32 $0x200, s23  }
0x35: {  	_ =	sdelay $0x2  }
0x36: {  	[tilespmem:s22+$0xFFFFFFD0] =	vst v5  }
0x37: {  	v56 =	vld.idx.msk [tilespmem:v0+s21+$0x30 ss:$0x1], $0xffff;
	[tilespmem:s22+$0xFFFFFFE0] =	vst v4  }
0x38: {  	v57 =	vld.idx.msk [tilespmem:v0+s21+$0xFFFFFFC0 ss:$0x1], $0xffff;
	[tilespmem:s22+$0xFFFFFFF0] =	vst v3  }
0x39: {  	v58 =	vld.idx.msk [tilespmem:v0+s21+$0xFFFFFFD0 ss:$0x1], $0xffff;
	[tilespmem:s22+$0x0] =	vst v1  }
0x3a: {  	v59 =	vld.idx.msk [tilespmem:v0+s21+$0xFFFFFFE0 ss:$0x1], $0xffff;
	[tilespmem:s22+$0x10] =	vst v2  }
0x3b: {  	v60 =	vld.idx.msk [tilespmem:v0+s21+$0xFFFFFFF0 ss:$0x1], $0xffff;
	s31 =	sadd.s32 $0x800, s22;
	[tilespmem:s22+$0x20] =	vst v6  }
0x3c: {  	v61 =	vld.idx.msk [tilespmem:v0+s21+$0x0 ss:$0x1], $0xffff;
	[tilespmem:s31+$0x30] =	vst v56  }
0x3d: {  	v62 =	vld.idx.msk [tilespmem:v0+s21+$0x10 ss:$0x1], $0xffff;
	s20 =	sadd.s32 $0x1, s20;
	[tilespmem:s31+$0xFFFFFFC0] =	vst v57  }
0x3e: {  	v63 =	vld.idx.msk [tilespmem:v0+s21+$0x20 ss:$0x1], $0xffff;
	p0 =	sne.s32 s20, $0x10;
	[tilespmem:s31+$0xFFFFFFD0] =	vst v58  }
.Ltmp4:
0x3f: {  	[tilespmem:s31+$0xFFFFFFE0] =	vst v59;
	(pc) =	sbr.rel @p0 .LBB1_3-.Ltmp4, $4  }
0x40: {  	[tilespmem:s31+$0xFFFFFFF0] =	vst v60  }
0x41: {  	[tilespmem:s31+$0x0] =	vst v61  }
0x42: {  	[tilespmem:s31+$0x10] =	vst v62  }
0x43: {  	s17 =	sadd.s32 $0x80, s17;
	s19 =	sadd.s32 $0x400, s19;
	[tilespmem:s31+$0x20] =	vst v63  }
.Ltmp5:
0x44: {  	(pc) =	sbr.rel .LBB1_7-.Ltmp5, $4  }
0x45: {  	s16 =	sshll.u32 s16, $0x14;
	s15 =	sshll.u32 s15, $0x4  }
0x46: {  	s15 =	sand.u32 $0x1FFF0, s15;
	s16 =	sadd.s32 s4, s16  }
0x47: {  	s15 =	sadd.s32 s15, s16  }
0x48: {  	[hbm4b:s15+s9] =	stream.strided.scatter [tilespmem:s18], [sflag:$0x2], $0x4000, s10, s9, $0x38;
	[tilespmem:$0x10000] =	vst v63  }
.LBB1_8:
0x49: {  	_ =	sfence.sel $0x180000  }
0x4a: {  	s2 =	simm.s32 $0x1;
	[bflag:$0x0] =	sbarrier.arrive $0xFFFF  }
0x4b: {  	s31 =	simm.s32 $0x2;
	[sflag:s2] =	ssyncpa.u1 $0x1  }
0x4c: {  	[sflag:s31] =	ssyncpa.u1 $0x1  }
0x4d: {  	p0 =	sne.s32 s0, $0x0;
	_ =	strace $0x90000047  }
0x4e: {  	s0 =	sadd.s32 @!p0 $0x100000, s1;
	[bflag:$0x2] =	sbarrier.arrive $0xFFFF  }
0x4f: {  	[sflag:s0] =	ssyncadd.tile.s32 @!p0 $0x1;
	_ =	shalt  }
.Lfunc_end1:
_tile_overlayer_lowered:
.L_overlay_start_2:
0x50: {  	(tag) =	ssettag $0x2  }
0x51: {  	s0 =	rddreg [dreg:$0x0];
	s2 =	stileid.u32  }
0x52: {  	s1 =	rddreg [dreg:$0x1];
	p0 =	sne.s32 s2, $0x0  }
0x53: {  	s3 =	rddreg [dreg:$0x2];
	[bflag:$0x3] =	sbarrier.arrive $0xFFFF;
	s2 =	simm.s32 @!p0 $0x1C01  }
0x54: {  	[timem:s3], [sflag:s2] =	dma.local @!p0 [hbm:s0], s1  }
0x55: {  	s0 =	simm.s32 @!p0 $0x1  }
0x56: {  	_ =	swait.ge @!p0 [sflag:s0], s1  }
0x57: {  	s1 =	ssub.s32 @!p0 $0x0, s1;
	[sflag:s0] =	ssyncset.done @!p0 $0x0  }
0x58: {  	[sflag:s0] =	ssyncadd.s32 @!p0 s1  }
0x59: {  	[bflag:$0x3] =	sbarrier.arrive $0xFFFF  }
0x5a: {  	_ =	shalt  }

// kernel: sparse-core-data-format-call.cloned.1.call-start
scs
called_computation_lowered:
.L_overlay_start_0:
0x0: {  	s1 =	sld [smem:$0x3FD9]  }
0x1: {  	s2 =	sld [smem:$0x3FFE];
	_ =	sdelay $0x1  }
0x2: {  	s3 =	srdreg.scid  }
0x3: {  	s0 =	sand.u32 $0x1, s3  }
0x4: {  	s17 =	sshll.u32 s0, $0xA;
	s1 =	sadd.s32 s2, s1  }
0x5: {  	s1 =	sadd.s32 s1, s17  }
0x6: {  	[smem:$0x3FC7] =	sst s1  }
0x7: {  	_ = 	snop  }
0x8: {  	(tm) =	ssettm $0x1  }
0x9: {  	s18 =	sld [smem:$0x3FFB];
	_ =	sdelay $0x3  }
0xa: {  	_ =	strace s18  }
0xb: {  	s1 =	sld [smem:$0x3FFC];
	_ =	sdelay $0x3  }
0xc: {  	_ =	strace s1  }
0xd: {  	s1 =	sld [smem:$0x3FFD];
	_ =	sdelay $0x3  }
0xe: {  	_ =	strace s1  }
0xf: {  	_ =	strace $0x8FFFFFFF  }
0x10: {  	s19 =	sld [smem:$0x3FDB];
	_ =	sdelay $0x1  }
0x11: {  	s20 =	simm.s32 $_scs_section_size  }
0x12: {  	s4 =	simm.s32 $_size__tile_overlayer_lowered;
	s5 =	simm.s32 $_tile_overlayer_lowered  }
0x13: {  	s23 =	simm.s32 $0x1BFF;
	s22 =	sshll.u32 s5, $0x1;
	s1 =	sadd.s32 s20, s19  }
0x14: {  	s6 =	simm.s32 $0x0;
	s21 =	sshll.u32 s4, $0x1;
	s4 =	sadd.s32 s22, s1  }
0x15: {  	[timem:s6], [sflag:s23] =	dma.local [hbm:s4], s21  }
0x16: {  	_ =	swait.ge [sflag:s23], s21  }
0x17: {  	s2 =	ssub.s32 $0x0, s21;
	[sflag:s23] =	ssyncset.done $0x0  }
0x18: {  	[sflag:s23] =	ssyncadd.s32 s2;
	_ =	sdelay $0x1  }
0x19: {  	s24 =	simm.s32 $0x1B8B  }
0x1a: {  	_ =	swait.ge [sflag:s24], $0x1  }
0x1b: {  	[sflag:s24] =	ssyncset.done $0x0  }
0x1c: {  	s26 =	simm.s32 $0x1B8E;
	s25 =	sld [smem:$0x3FFE];
	[sflag:s24] =	ssyncadd.s32 $0xFFFFFFFF  }
0x1d: {  	s27 =	simm.s32 $execute0_lowered;
	[smem:$0x3FD2] =	sst s26  }
0x1e: {  	s4 =	sshll.u32 s27, $0x1;
	_ =	strace $0x8000004C;
	[dreg:$0x1] =	wrdreg $0xFFFFFFFF  }
0x1f: {  	s28 =	simm.s32 $_size_execute0_lowered;
	s1 =	sadd.s32 s1, s4;
	[dreg:$0x0] =	wrdreg $0x0  }
0x20: {  	s4 =	sshll.u32 s28, $0x1;
	[dreg:$0x2] =	wrdreg s1  }
0x21: {  	[dreg:$0x3] =	wrdreg s4  }
0x22: {  	[dreg:$0x4] =	wrdreg $0xC0  }
0x23: {  	_ =	task [dreg:s6], $0x5FFFF  }
0x24: {  	[dreg:$0x1] =	wrdreg $0xFFFFFFFF  }
0x25: {  	[dreg:$0x0] =	wrdreg $0x60  }
0x26: {  	[dreg:$0x2] =	wrdreg s25  }
0x27: {  	[dreg:$0x3] =	wrdreg $0x9  }
0x28: {  	_ =	task.clear_ibuf [dreg:s6], $0x4FFFF;
	_ =	strace $0x9000004C  }
0x29: {  	s29 =	simm.s32 $0x9;
	_ =	strace $0x8000004E  }
0x2a: {  	_ =	swait.ge [sflag:s29], $0x1  }
0x2b: {  	[sflag:s29] =	ssyncadd.s32 $0xFFFFFFFF  }
0x2c: {  	_ =	strace $0x9000004E  }
0x2d: {  	_ =	sfence  }
0x2e: {  	s30 =	sld [smem:$0x0];
	_ =	sdelay $0x2  }
0x2f: {  	s31 =	sshll.u32 s3, $0xD;
	s3 =	sshrl.u32 s3, $0x2  }
0x30: {  	s2 =	sand.u32 $0x4000, s31;
	s1 =	sadd.s32 s3, s30  }
0x31: {  	s0 =	sor.u32 s2, s0;
	s1 =	sshll.u32 s1, $0x11  }
0x32: {  	s0 =	sor.u32 s1, s0  }
0x33: {  	s0 =	sadd.s32 $0x8F2B, s0  }
0x34: {  	[sflag:s0] =	ssyncadd.remote.s32 $0x1  }
0x35: {  	_ =	sfence.sel $0xFFFF  }
0x36: {  	[dreg:$0x0] =	wrdreg $0xFFFFFFFF;
	(pc) =	sbr.abs _section_cstart, $3  }
0x37: {  	[dreg:$0x1] =	wrdreg $0xFFFFFFFF  }
0x38: {  	_ =	task.clear_ibuf [dreg:s6], $0x2FFFF;
	_ =	strace $0x9FFFFFFF  }
0x39: {  	(tm) =	ssettm $0x7FFFFFFF  }
tec
execute0_lowered:
.L_overlay_start_1:
0x0: {  	(tag) =	ssettag $0x1  }
0x1: {  	s1 =	rddreg [dreg:$0x0]  }
0x2: {  	s0 =	rddreg [dreg:$0x1];
	s3 =	srdreg.scid  }
0x3: {  	_ =	strace $0x8000004D;
	s5 =	simm.s32 $0x1;
	s7 =	simm.s32 $0x2  }
0x4: {  	s13 =	simm.s32 $0x0;
	p0 =	por $0x0, $0x0;
	s8 =	simm.s32 $0x400  }
0x5: {  	s14 =	simm.s32 $0x0;
	s15 =	simm.s32 $0x0;
	s10 =	simm.s32 $0x0  }
.Ltmp0:
0x6: {  	s2 =	sadd.s32 $0xC00, s1;
	s4 =	sshll.u32 s3, $0x4;
	(pc) =	sbr.rel .LBB1_1-.Ltmp0, $4  }
0x7: {  	s3 =	sadd.s32 $0x400C00, s1;
	s1 =	stileid.u32;
	s4 =	sand.u32 $0x10, s4  }
0x8: {  	s9 =	simm.s32 $0x0;
	[sflag:s5] =	ssyncpa.u1 $0x0;
	s6 =	sor.u32 s1, s4  }
0x9: {  	[sflag:s7] =	ssyncpa.u1 $0x0;
	s4 =	sand.u32 $0x3, s1;
	s6 =	sshrl.u32 s6, $0x2  }
0xa: {  	s7 =	simm.s32 $0x80;
	s12 =	smov.u32 s4;
	s11 =	smov.u32 s6  }
.LBB1_5:
0xb: {  	s16 =	sadd.s32 $0x80, s10  }
0xc: {  	s13 =	sadd.s32 $0x8, s11;
	s17 =	smov.u32 s11;
	p2 =	sgt.s32 s16, $0x1FFF  }
0xd: {  	s17 =	smov.u32 @p2 s13  }
0xe: {  	s19 =	smov.u32 s12;
	s13 =	sadd.s32 $0x4, s12;
	p3 =	sgt.s32 s17, $0x7  }
0xf: {  	p1 =	slt.u32 s9, $0x2;
	s19 =	smov.u32 @p3 s13  }
0x10: {  	s9 =	sadd.s32 $0x1, s9;
	s16 =	simm.s32 @p2 $0x0;
	p2 =	sgt.s32 s19, $0x3  }
0x11: {  	s19 =	smov.u32 @p2 s4;
	p2 =	sne.s32 s9, $0x42  }
.Ltmp1:
0x12: {  	s18 =	simm.s32 @!p1 $0x2;
	(pc) =	sbr.rel @!p2 .LBB1_6-.Ltmp1, $4  }
0x13: {  	s14 =	smov.u32 s11;
	_ =	swait.ge @!p1 [sflag:s18], $0x4000  }
0x14: {  	s15 =	smov.u32 s12;
	p0 =	por !p0, !p0;
	[sflag:s18] =	ssyncset.done @!p1 $0x0  }
0x15: {  	s17 =	smov.u32 @p3 s6;
	s13 =	smov.u32 s10;
	[sflag:s18] =	ssyncadd.s32 @!p1 $0xFFFFC000  }
0x16: {  	s10 =	smov.u32 s16;
	s11 =	smov.u32 s17;
	s12 =	smov.u32 s19  }
.LBB1_1:
0x17: {  	p1 =	sgt.u32 s9, $0x3F  }
0x18: {  	s16 =	sxor.u32 @!p1 $0xFFFFFFFF, s9;
	s17 =	sshll.u32 @!p1 s12, $0x14  }
0x19: {  	s18 =	sshll.u32 @!p1 s11, $0x11;
	s19 =	sshll.u32 @!p1 s10, $0x4;
	s17 =	sadd.s32 @!p1 s2, s17  }
0x1a: {  	s16 =	sshll.u32 @!p1 s16, $0xE;
	s19 =	sand.u32 @!p1 $0x1FFF0, s19;
	s17 =	sadd.s32 @!p1 s18, s17  }
0x1b: {  	s16 =	sand.u32 @!p1 $0x4000, s16;
	s18 =	simm.s32 @!p1 $0x0;
	s17 =	sadd.s32 @!p1 s19, s17  }
0x1c: {  	[tilespmem:s16], [sflag:$0x1] =	stream.linear.gather @!p1 [hbm4b:s17+s18], $0x4000, $0x38;
	[tilespmem:$0x10000] =	vst v63  }
0x1d: {  	p1 =	seq.s32 s9, $0x0  }
0x1e: {  	p2 =	seq.s32 @!p1 s9, $0x41  }
0x1f: {  	p1 =	por p1, p2  }
.Ltmp2:
0x20: {  	_ = 	snop;
	(pc) =	sbr.rel @p1 .LBB1_5-.Ltmp2, $1  }
0x21: {  	_ =	sdelay $0x3  }
0x22: {  	s16 =	simm.s32 $0x1  }
0x23: {  	s16 =	simm.s32 @!p0 $0x0  }
0x24: {  	s16 =	sshll.u32 s16, $0xE  }
0x25: {  	s17 =	sor.u32 $0x40, s16  }
0x26: {  	v1 =	vmov s17;
	_ =	sdelay $0x1  }
0x27: {  	_ =	swait.ge [sflag:s5], $0x4000  }
0x28: {  	[sflag:s5] =	ssyncset.done $0x0  }
0x29: {  	[sflag:s5] =	ssyncadd.s32 $0xFFFFC000;
	s17 =	simm.s32 $0x0  }
0x2a: {  	s16 =	sor.u32 $0x8070, s16;
	v7 =	vld.idx.msk [tilespmem:v1+s17+$0x30 ss:$0x1], $0xffff  }
0x2b: {  	v0 =	vmov s16;
	v8 =	vld.idx.msk [tilespmem:v1+s17+$0xFFFFFFC0 ss:$0x1], $0xffff  }
0x2c: {  	v6 =	vld.idx.msk [tilespmem:v1+s17+$0xFFFFFFD0 ss:$0x1], $0xffff  }
0x2d: {  	v4 =	vld.idx.msk [tilespmem:v1+s17+$0xFFFFFFE0 ss:$0x1], $0xffff  }
0x2e: {  	v2 =	vld.idx.msk [tilespmem:v1+s17+$0xFFFFFFF0 ss:$0x1], $0xffff  }
0x2f: {  	s31 =	sshll.u32 s9, $0xE;
	v3 =	vld.idx.msk [tilespmem:v1+s17+$0x0 ss:$0x1], $0xffff  }
0x30: {  	s16 =	sand.u32 $0x4000, s31;
	v5 =	vld.idx.msk [tilespmem:v1+s17+$0x10 ss:$0x1], $0xffff;
	[tilespmem:v0+s17+$0x0 ss:$0x1] =	vst.idx.msk $0xffff, v7  }
0x31: {  	s18 =	simm.s32 $0x80;
	s19 =	simm.s32 $0x400;
	s16 =	sor.u32 $0x8000, s16;
	[tilespmem:v0+s17+$0xFFFFFF90 ss:$0x1] =	vst.idx.msk $0xffff, v8;
	v7 =	vld.idx.msk [tilespmem:v1+s17+$0x20 ss:$0x1], $0xffff  }
.LBB1_3:
0x32: {  	p1 =	sne.s32 s19, $0xFE00;
	v8 =	vld.idx.msk [tilespmem:v1+s18+$0x30 ss:$0x1], $0xffff;
	[tilespmem:v0+s17+$0xFFFFFFA0 ss:$0x1] =	vst.idx.msk $0xffff, v6  }
0x33: {  	v9 =	vld.idx.msk [tilespmem:v1+s18+$0xFFFFFFC0 ss:$0x1], $0xffff;
	[tilespmem:v0+s17+$0xFFFFFFB0 ss:$0x1] =	vst.idx.msk $0xffff, v4  }
0x34: {  	v6 =	vld.idx.msk [tilespmem:v1+s18+$0xFFFFFFD0 ss:$0x1], $0xffff;
	[tilespmem:v0+s17+$0xFFFFFFC0 ss:$0x1] =	vst.idx.msk $0xffff, v2  }
.Ltmp3:
0x35: {  	v4 =	vld.idx.msk [tilespmem:v1+s18+$0xFFFFFFE0 ss:$0x1], $0xffff;
	[tilespmem:v0+s17+$0xFFFFFFD0 ss:$0x1] =	vst.idx.msk $0xffff, v3;
	(pc) =	sbr.rel @p1 .LBB1_3-.Ltmp3, $4  }
0x36: {  	v2 =	vld.idx.msk [tilespmem:v1+s18+$0xFFFFFFF0 ss:$0x1], $0xffff;
	[tilespmem:v0+s17+$0xFFFFFFE0 ss:$0x1] =	vst.idx.msk $0xffff, v5  }
0x37: {  	v3 =	vld.idx.msk [tilespmem:v1+s18+$0x0 ss:$0x1], $0xffff;
	[tilespmem:v0+s17+$0xFFFFFFF0 ss:$0x1] =	vst.idx.msk $0xffff, v7;
	s17 =	smov.u32 s18  }
0x38: {  	v5 =	vld.idx.msk [tilespmem:v1+s17+$0x10 ss:$0x1], $0xffff;
	[tilespmem:v0+s17+$0x0 ss:$0x1] =	vst.idx.msk $0xffff, v8  }
0x39: {  	s18 =	sshra.s32 s19, $0x2;
	s19 =	sadd.s32 $0x200, s19;
	[tilespmem:v0+s17+$0xFFFFFF90 ss:$0x1] =	vst.idx.msk $0xffff, v9;
	v7 =	vld.idx.msk [tilespmem:v1+s17+$0x20 ss:$0x1], $0xffff  }
0x3a: {  	_ =	sdelay $0x3  }
0x3b: {  	[tilespmem:v0+s17+$0xFFFFFFA0 ss:$0x1] =	vst.idx.msk $0xffff, v6  }
0x3c: {  	v56 =	vld.idx.msk [tilespmem:v1+s18+$0x30 ss:$0x1], $0xffff;
	[tilespmem:v0+s17+$0xFFFFFFB0 ss:$0x1] =	vst.idx.msk $0xffff, v4  }
0x3d: {  	v57 =	vld.idx.msk [tilespmem:v1+s18+$0xFFFFFFC0 ss:$0x1], $0xffff;
	[tilespmem:v0+s17+$0xFFFFFFC0 ss:$0x1] =	vst.idx.msk $0xffff, v2  }
0x3e: {  	v58 =	vld.idx.msk [tilespmem:v1+s18+$0xFFFFFFD0 ss:$0x1], $0xffff;
	[tilespmem:v0+s17+$0xFFFFFFD0 ss:$0x1] =	vst.idx.msk $0xffff, v3  }
0x3f: {  	v59 =	vld.idx.msk [tilespmem:v1+s18+$0xFFFFFFE0 ss:$0x1], $0xffff;
	[tilespmem:v0+s17+$0xFFFFFFE0 ss:$0x1] =	vst.idx.msk $0xffff, v5  }
0x40: {  	v60 =	vld.idx.msk [tilespmem:v1+s18+$0xFFFFFFF0 ss:$0x1], $0xffff;
	[tilespmem:v0+s17+$0xFFFFFFF0 ss:$0x1] =	vst.idx.msk $0xffff, v7  }
0x41: {  	v61 =	vld.idx.msk [tilespmem:v1+s18+$0x0 ss:$0x1], $0xffff;
	[tilespmem:v0+s18+$0x0 ss:$0x1] =	vst.idx.msk $0xffff, v56  }
0x42: {  	v62 =	vld.idx.msk [tilespmem:v1+s18+$0x10 ss:$0x1], $0xffff;
	[tilespmem:v0+s18+$0xFFFFFF90 ss:$0x1] =	vst.idx.msk $0xffff, v57  }
0x43: {  	v63 =	vld.idx.msk [tilespmem:v1+s18+$0x20 ss:$0x1], $0xffff;
	[tilespmem:v0+s18+$0xFFFFFFA0 ss:$0x1] =	vst.idx.msk $0xffff, v58  }
0x44: {  	[tilespmem:v0+s18+$0xFFFFFFB0 ss:$0x1] =	vst.idx.msk $0xffff, v59  }
.Ltmp4:
0x45: {  	s15 =	sshll.u32 s15, $0x14;
	[tilespmem:v0+s18+$0xFFFFFFC0 ss:$0x1] =	vst.idx.msk $0xffff, v60;
	(pc) =	sbr.rel .LBB1_5-.Ltmp4, $4  }
0x46: {  	s13 =	sshll.u32 s13, $0x7;
	s14 =	sshll.u32 s14, $0x4;
	s15 =	sadd.s32 s3, s15;
	[tilespmem:v0+s18+$0xFFFFFFD0 ss:$0x1] =	vst.idx.msk $0xffff, v61  }
0x47: {  	s14 =	sand.u32 $0x70, s14;
	s13 =	sadd.s32 s13, s15;
	[tilespmem:v0+s18+$0xFFFFFFE0 ss:$0x1] =	vst.idx.msk $0xffff, v62  }
0x48: {  	s13 =	sadd.s32 s14, s13;
	[tilespmem:v0+s18+$0xFFFFFFF0 ss:$0x1] =	vst.idx.msk $0xffff, v63  }
0x49: {  	[hbm4b:s13+s7] =	stream.strided.scatter [tilespmem:s16], [sflag:$0x2], $0x4000, s8, s7, $0x38;
	[tilespmem:$0x10000] =	vst v63  }
.LBB1_6:
0x4a: {  	_ =	sfence.sel $0x180000  }
0x4b: {  	s2 =	simm.s32 $0x1;
	[bflag:$0x0] =	sbarrier.arrive $0xFFFF  }
0x4c: {  	s31 =	simm.s32 $0x2;
	[sflag:s2] =	ssyncpa.u1 $0x1  }
0x4d: {  	[sflag:s31] =	ssyncpa.u1 $0x1  }
0x4e: {  	p0 =	sne.s32 s1, $0x0;
	_ =	strace $0x9000004D  }
0x4f: {  	s0 =	sadd.s32 @!p0 $0x100000, s0;
	[bflag:$0x2] =	sbarrier.arrive $0xFFFF  }
0x50: {  	[sflag:s0] =	ssyncadd.tile.s32 @!p0 $0x1;
	_ =	shalt  }
.Lfunc_end1:
_tile_overlayer_lowered:
.L_overlay_start_2:
0x51: {  	(tag) =	ssettag $0x2  }
0x52: {  	s0 =	rddreg [dreg:$0x0];
	s2 =	stileid.u32  }
0x53: {  	s1 =	rddreg [dreg:$0x1];
	p0 =	sne.s32 s2, $0x0  }
0x54: {  	s3 =	rddreg [dreg:$0x2];
	[bflag:$0x3] =	sbarrier.arrive $0xFFFF;
	s2 =	simm.s32 @!p0 $0x1C01  }
0x55: {  	[timem:s3], [sflag:s2] =	dma.local @!p0 [hbm:s0], s1  }
0x56: {  	s0 =	simm.s32 @!p0 $0x1  }
0x57: {  	_ =	swait.ge @!p0 [sflag:s0], s1  }
0x58: {  	s1 =	ssub.s32 @!p0 $0x0, s1;
	[sflag:s0] =	ssyncset.done @!p0 $0x0  }
0x59: {  	[sflag:s0] =	ssyncadd.s32 @!p0 s1  }
0x5a: {  	[bflag:$0x3] =	sbarrier.arrive $0xFFFF  }
0x5b: {  	_ =	shalt  }

</sc_bundles>
